<compile_context>
chip_gen: v7x
topology: tpu7x:2x2x1
jax: 0.10.2.dev20260603
libtpu: 0.0.44.dev20260713+nightly
codegen_flags: <defaults>
</compile_context>

<pallas_src>
import jax
import jax.numpy as jnp
from jax import lax
from jax.experimental import pallas as pl
from jax.experimental.pallas import tpu as pltpu
from jax.experimental.pallas import tpu_sc as plsc

B, T, D, V = 4096, 200, 64, 1000000
DP = 128
N = B * T
NC, NS = 2, 16
NW = NC * NS
PER_W = N // NW
CHUNK = 80
NCH = PER_W // CHUNK
K = 4
G = NCH // K


def _emb_body(idx_hbm, table_hbm, out_hbm, idx_v, rows_a, rows_b,
              gsem_a, gsem_b, osem_a, osem_b):
    wid = lax.axis_index("s") * NC + lax.axis_index("c")
    base = wid * PER_W
    pltpu.sync_copy(idx_hbm.at[pl.ds(wid * NCH, NCH)], idx_v)

    def fire_gathers(g, rows_v, gsem):
        for k in range(K):
            c = g * K + k
            pltpu.async_copy(table_hbm.at[idx_v.at[c]],
                             rows_v.at[pl.ds(k * CHUNK, CHUNK)], gsem)

    def wait_gathers(g, rows_v, gsem):
        for k in range(K):
            c = g * K + k
            pltpu.make_async_copy(
                table_hbm.at[idx_v.at[c]],
                rows_v.at[pl.ds(k * CHUNK, CHUNK)], gsem).wait()

    def fire_outs(g, rows_v, osem):
        for k in range(K):
            c = g * K + k
            pltpu.async_copy(rows_v.at[pl.ds(k * CHUNK, CHUNK)],
                             out_hbm.at[pl.ds(base + c * CHUNK, CHUNK)], osem)

    def drain_outs(rows_v, osem):
        for k in range(K):
            pltpu.make_async_copy(rows_v.at[pl.ds(k * CHUNK, CHUNK)],
                                  out_hbm.at[pl.ds(k * CHUNK, CHUNK)],
                                  osem).wait()

    fire_gathers(0, rows_a, gsem_a)

    def step_pair(gp, _):
        g_even = 2 * gp
        g_odd = 2 * gp + 1
        @pl.when(gp >= 1)
        def _():
            drain_outs(rows_a, osem_a)
            fire_gathers(g_even, rows_a, gsem_a)
            wait_gathers(g_even - 1, rows_b, gsem_b)
            fire_outs(g_even - 1, rows_b, osem_b)
        @pl.when(gp >= 1)
        def _():
            drain_outs(rows_b, osem_b)
        fire_gathers(g_odd, rows_b, gsem_b)
        wait_gathers(g_even, rows_a, gsem_a)
        fire_outs(g_even, rows_a, osem_a)
        return 0

    lax.fori_loop(0, G // 2, step_pair, 0)

    wait_gathers(G - 1, rows_b, gsem_b)
    fire_outs(G - 1, rows_b, osem_b)
    drain_outs(rows_a, osem_a)
    drain_outs(rows_b, osem_b)


def _embedding_lookup(idx_flat, table_padded):
    k = pl.kernel(
        _emb_body,
        out_type=jax.ShapeDtypeStruct((N, DP), jnp.float32),
        mesh=plsc.VectorSubcoreMesh(core_axis_name="c", subcore_axis_name="s"),
        scratch_types=[
            pltpu.VMEM((NCH, CHUNK), jnp.int32),
            pltpu.VMEM((K * CHUNK, DP), jnp.float32),
            pltpu.VMEM((K * CHUNK, DP), jnp.float32),
            pltpu.SemaphoreType.DMA,
            pltpu.SemaphoreType.DMA,
            pltpu.SemaphoreType.DMA,
            pltpu.SemaphoreType.DMA,
        ],
    )
    return k(idx_flat, table_padded)


def kernel(token_ids, subword_emb_weight):
    idx_flat = token_ids.reshape(NW * NCH, CHUNK)
    table_padded = jnp.pad(subword_emb_weight, ((0, 0), (0, DP - D)))
    out = _embedding_lookup(idx_flat, table_padded)
    return out[:, :D].reshape(B, T, D)

# --- scband reference (transcript-rebuilt; emitter-appended) ---
"""Pipeline reference for scband-subword-embedding-62569083568277 (READ-ONLY COPY).

The authoritative reference and input builder live on the scoring server;
editing this copy changes nothing except your own understanding.
"""

import jax, jax.numpy as jnp
import numpy as np

VOCAB = 1000000
D_MODEL = 64
B, T = 4096, 200

def setup_inputs(seed: int = 0) -> dict:
    key = jax.random.key(seed)
    k1, k2 = jax.random.split(key)
    token_ids = jax.random.randint(k1, (B, T), 0, VOCAB, dtype=jnp.int64 if jax.config.jax_enable_x64 else jnp.int32)
    init_std = D_MODEL ** (-0.5)
    subword_emb_weight = jax.random.normal(k2, (VOCAB, D_MODEL), dtype=jnp.float32) * init_std
    return {"token_ids": token_ids, "subword_emb_weight": subword_emb_weight}

def reference(token_ids, subword_emb_weight):
    # nn.Embedding lookup: gather rows of the table by token id
    return jnp.take(subword_emb_weight, token_ids, axis=0)

if __name__ == "__main__":
    import jax
    _d = setup_inputs()
    print(jax.jit(kernel)(*tuple(_d.values())))

</pallas_src>

<mosaic_0001>
#map = affine_map<(d0, d1) -> (0, 0)>
module attributes {stable_mosaic.version = 14 : i64} {
  func.func @_emb_body(%arg0: i32, %arg1: i32, %arg2: memref<10240x80xi32, #tpu.memory_space<hbm>>, %arg3: memref<1000000x128xf32, #tpu.memory_space<hbm>>, %arg4: memref<819200x128xf32, #tpu.memory_space<hbm>>, %arg5: memref<320x80xi32, #tpu.memory_space<vmem>>, %arg6: memref<320x128xf32, #tpu.memory_space<vmem>>, %arg7: memref<320x128xf32, #tpu.memory_space<vmem>>, %arg8: memref<!tpu.dma_semaphore, #tpu.memory_space<semaphore_mem>>, %arg9: memref<!tpu.dma_semaphore, #tpu.memory_space<semaphore_mem>>, %arg10: memref<!tpu.dma_semaphore, #tpu.memory_space<semaphore_mem>>, %arg11: memref<!tpu.dma_semaphore, #tpu.memory_space<semaphore_mem>>) attributes {dimension_semantics = [#tpu.dimension_semantics<core_parallel>, #tpu.dimension_semantics<subcore_parallel>], iteration_bounds = array<i64: 2, 16>, scalar_prefetch = 0 : i64, scratch_operands = 7 : i64, tpu.core_type = #tpu.core_type<sc_vector_subcore>, window_params = [{transform_indices = #map}, {transform_indices = #map}, {transform_indices = #map}]} {
    %mul3A = arith.constant 2 : i32
    %mul3A_0 = arith.muli %arg1, %mul3A : i32
    %add3A = arith.addi %mul3A_0, %arg0 : i32
    %mul3A_1 = arith.constant 25600 : i32
    %mul3A_2 = arith.muli %add3A, %mul3A_1 : i32
    %mul3A_3 = arith.constant 320 : i32
    %mul3A_4 = arith.muli %add3A, %mul3A_3 : i32
    "tpu.region"() ({
      %run_scoped3A = tpu.sem_alloc : memref<!tpu.dma_semaphore, #tpu.memory_space<semaphore_mem>>
      %dma_start3A_233 = arith.constant 0 : i32
      %dma_start3A_234 = tpu.memref_slice %arg2[%mul3A_4, %dma_start3A_233] : memref<10240x80xi32, #tpu.memory_space<hbm>> -> memref<320x80xi32, #tpu.memory_space<hbm>>
      %dma_start3A_235 = arith.constant 0 : i32
      %dma_start3A_236 = tpu.memref_slice %arg2[%mul3A_4, %dma_start3A_235] : memref<10240x80xi32, #tpu.memory_space<hbm>> -> memref<320x80xi32, #tpu.memory_space<hbm>>
      tpu.enqueue_dma source(%dma_start3A_236 : memref<320x80xi32, #tpu.memory_space<hbm>>) target(%arg5 : memref<320x80xi32, #tpu.memory_space<vmem>>) target_semaphore(%run_scoped3A : memref<!tpu.dma_semaphore, #tpu.memory_space<semaphore_mem>>)
      %dma_wait3A_237 = arith.constant 0 : i32
      %dma_wait3A_238 = tpu.memref_slice %arg2[%mul3A_4, %dma_wait3A_237] : memref<10240x80xi32, #tpu.memory_space<hbm>> -> memref<320x80xi32, #tpu.memory_space<hbm>>
      %dma_wait3A_239 = arith.constant 0 : i32
      %dma_wait3A_240 = tpu.memref_slice %arg2[%mul3A_4, %dma_wait3A_239] : memref<10240x80xi32, #tpu.memory_space<hbm>> -> memref<320x80xi32, #tpu.memory_space<hbm>>
      tpu.wait_dma2 semaphore(%run_scoped3A : memref<!tpu.dma_semaphore, #tpu.memory_space<semaphore_mem>>) src(%dma_wait3A_240 : memref<320x80xi32, #tpu.memory_space<hbm>>) dst(%arg5 : memref<320x80xi32, #tpu.memory_space<vmem>>)
      tpu.yield
    }) : () -> ()
    %dma_start3A = arith.constant 0 : i32
    %dma_start3A_5 = arith.constant 0 : i32
    %dma_start3A_6 = arith.constant 0 : i32
    %dma_start3A_7 = tpu.memref_slice %arg6[%dma_start3A_5, %dma_start3A_6] : memref<320x128xf32, #tpu.memory_space<vmem>> -> memref<80x128xf32, #tpu.memory_space<vmem>>
    %dma_start3A_8 = arith.constant 0 : i32
    %dma_start3A_9 = tpu.memref_slice %arg5[%dma_start3A, %dma_start3A_8] : memref<320x80xi32, #tpu.memory_space<vmem>> -> memref<1x80xi32, #tpu.memory_space<vmem>>
    %dma_start3A_10 = tpu.memref_squeeze %dma_start3A_9 : memref<1x80xi32, #tpu.memory_space<vmem>> -> memref<80xi32, #tpu.memory_space<vmem>>
    %dma_start3A_11 = arith.constant 0 : i32
    %dma_start3A_12 = arith.constant 0 : i32
    %dma_start3A_13 = tpu.memref_slice %arg3[%dma_start3A_11, %dma_start3A_12] : memref<1000000x128xf32, #tpu.memory_space<hbm>> -> memref<1000000x128xf32, #tpu.memory_space<hbm>>
    tpu.enqueue_indirect_dma source(%dma_start3A_13 : memref<1000000x128xf32, #tpu.memory_space<hbm>>) target(%dma_start3A_7 : memref<80x128xf32, #tpu.memory_space<vmem>>) offsets(%dma_start3A_10 : memref<80xi32, #tpu.memory_space<vmem>>) semaphore(%arg8 : memref<!tpu.dma_semaphore, #tpu.memory_space<semaphore_mem>>)
    %dma_start3A_14 = arith.constant 1 : i32
    %dma_start3A_15 = arith.constant 80 : i32
    %dma_start3A_16 = arith.constant 0 : i32
    %dma_start3A_17 = tpu.memref_slice %arg6[%dma_start3A_15, %dma_start3A_16] : memref<320x128xf32, #tpu.memory_space<vmem>> -> memref<80x128xf32, #tpu.memory_space<vmem>>
    %dma_start3A_18 = arith.constant 0 : i32
    %dma_start3A_19 = tpu.memref_slice %arg5[%dma_start3A_14, %dma_start3A_18] : memref<320x80xi32, #tpu.memory_space<vmem>> -> memref<1x80xi32, #tpu.memory_space<vmem>>
    %dma_start3A_20 = tpu.memref_squeeze %dma_start3A_19 : memref<1x80xi32, #tpu.memory_space<vmem>> -> memref<80xi32, #tpu.memory_space<vmem>>
    %dma_start3A_21 = arith.constant 0 : i32
    %dma_start3A_22 = arith.constant 0 : i32
    %dma_start3A_23 = tpu.memref_slice %arg3[%dma_start3A_21, %dma_start3A_22] : memref<1000000x128xf32, #tpu.memory_space<hbm>> -> memref<1000000x128xf32, #tpu.memory_space<hbm>>
    tpu.enqueue_indirect_dma source(%dma_start3A_23 : memref<1000000x128xf32, #tpu.memory_space<hbm>>) target(%dma_start3A_17 : memref<80x128xf32, #tpu.memory_space<vmem>>) offsets(%dma_start3A_20 : memref<80xi32, #tpu.memory_space<vmem>>) semaphore(%arg8 : memref<!tpu.dma_semaphore, #tpu.memory_space<semaphore_mem>>)
    %dma_start3A_24 = arith.constant 2 : i32
    %dma_start3A_25 = arith.constant 160 : i32
    %dma_start3A_26 = arith.constant 0 : i32
    %dma_start3A_27 = tpu.memref_slice %arg6[%dma_start3A_25, %dma_start3A_26] : memref<320x128xf32, #tpu.memory_space<vmem>> -> memref<80x128xf32, #tpu.memory_space<vmem>>
    %dma_start3A_28 = arith.constant 0 : i32
    %dma_start3A_29 = tpu.memref_slice %arg5[%dma_start3A_24, %dma_start3A_28] : memref<320x80xi32, #tpu.memory_space<vmem>> -> memref<1x80xi32, #tpu.memory_space<vmem>>
    %dma_start3A_30 = tpu.memref_squeeze %dma_start3A_29 : memref<1x80xi32, #tpu.memory_space<vmem>> -> memref<80xi32, #tpu.memory_space<vmem>>
    %dma_start3A_31 = arith.constant 0 : i32
    %dma_start3A_32 = arith.constant 0 : i32
    %dma_start3A_33 = tpu.memref_slice %arg3[%dma_start3A_31, %dma_start3A_32] : memref<1000000x128xf32, #tpu.memory_space<hbm>> -> memref<1000000x128xf32, #tpu.memory_space<hbm>>
    tpu.enqueue_indirect_dma source(%dma_start3A_33 : memref<1000000x128xf32, #tpu.memory_space<hbm>>) target(%dma_start3A_27 : memref<80x128xf32, #tpu.memory_space<vmem>>) offsets(%dma_start3A_30 : memref<80xi32, #tpu.memory_space<vmem>>) semaphore(%arg8 : memref<!tpu.dma_semaphore, #tpu.memory_space<semaphore_mem>>)
    %dma_start3A_34 = arith.constant 3 : i32
    %dma_start3A_35 = arith.constant 240 : i32
    %dma_start3A_36 = arith.constant 0 : i32
    %dma_start3A_37 = tpu.memref_slice %arg6[%dma_start3A_35, %dma_start3A_36] : memref<320x128xf32, #tpu.memory_space<vmem>> -> memref<80x128xf32, #tpu.memory_space<vmem>>
    %dma_start3A_38 = arith.constant 0 : i32
    %dma_start3A_39 = tpu.memref_slice %arg5[%dma_start3A_34, %dma_start3A_38] : memref<320x80xi32, #tpu.memory_space<vmem>> -> memref<1x80xi32, #tpu.memory_space<vmem>>
    %dma_start3A_40 = tpu.memref_squeeze %dma_start3A_39 : memref<1x80xi32, #tpu.memory_space<vmem>> -> memref<80xi32, #tpu.memory_space<vmem>>
    %dma_start3A_41 = arith.constant 0 : i32
    %dma_start3A_42 = arith.constant 0 : i32
    %dma_start3A_43 = tpu.memref_slice %arg3[%dma_start3A_41, %dma_start3A_42] : memref<1000000x128xf32, #tpu.memory_space<hbm>> -> memref<1000000x128xf32, #tpu.memory_space<hbm>>
    tpu.enqueue_indirect_dma source(%dma_start3A_43 : memref<1000000x128xf32, #tpu.memory_space<hbm>>) target(%dma_start3A_37 : memref<80x128xf32, #tpu.memory_space<vmem>>) offsets(%dma_start3A_40 : memref<80xi32, #tpu.memory_space<vmem>>) semaphore(%arg8 : memref<!tpu.dma_semaphore, #tpu.memory_space<semaphore_mem>>)
    %scan3A = arith.constant 0 : i32
    %scan3A_44 = arith.constant 0 : i32
    %scan3A_45 = arith.constant 40 : i32
    %scan3A_46 = arith.addi %scan3A_44, %scan3A_45 : i32
    %scan3A_47 = arith.constant 1 : i32
    %scan3A_48 = scf.for %scan3A_233 = %scan3A_44 to %scan3A_46 step %scan3A_47 iter_args(%scan3A_234 = %scan3A) -> (i32)  : i32 {
      %mul3A_235 = arith.constant 2 : i32
      %mul3A_236 = arith.muli %mul3A_235, %scan3A_233 : i32
      %mul3A_237 = arith.constant 2 : i32
      %mul3A_238 = arith.muli %mul3A_237, %scan3A_233 : i32
      %add3A_239 = arith.constant 1 : i32
      %add3A_240 = arith.addi %mul3A_238, %add3A_239 : i32
      %ge3A = arith.constant 1 : i32
      %ge3A_241 = arith.cmpi sge, %scan3A_233, %ge3A : i32
      %convert_element_type3A = arith.extui %ge3A_241 : i1 to i32
      %cond3A = arith.constant 0 : i32
      %cond3A_242 = arith.cmpi ne, %convert_element_type3A, %cond3A : i32
      scf.if %cond3A_242 {
        %dma_wait3A_421 = arith.constant 0 : i32
        %dma_wait3A_422 = arith.constant 0 : i32
        %dma_wait3A_423 = tpu.memref_slice %arg6[%dma_wait3A_421, %dma_wait3A_422] : memref<320x128xf32, #tpu.memory_space<vmem>> -> memref<80x128xf32, #tpu.memory_space<vmem>>
        %dma_wait3A_424 = arith.constant 0 : i32
        %dma_wait3A_425 = arith.constant 0 : i32
        %dma_wait3A_426 = tpu.memref_slice %arg4[%dma_wait3A_424, %dma_wait3A_425] : memref<819200x128xf32, #tpu.memory_space<hbm>> -> memref<80x128xf32, #tpu.memory_space<hbm>>
        %dma_wait3A_427 = arith.constant 0 : i32
        %dma_wait3A_428 = arith.constant 0 : i32
        %dma_wait3A_429 = tpu.memref_slice %arg4[%dma_wait3A_427, %dma_wait3A_428] : memref<819200x128xf32, #tpu.memory_space<hbm>> -> memref<80x128xf32, #tpu.memory_space<hbm>>
        %dma_wait3A_430 = arith.constant 0 : i32
        %dma_wait3A_431 = arith.constant 0 : i32
        %dma_wait3A_432 = tpu.memref_slice %arg6[%dma_wait3A_430, %dma_wait3A_431] : memref<320x128xf32, #tpu.memory_space<vmem>> -> memref<80x128xf32, #tpu.memory_space<vmem>>
        tpu.wait_dma2 semaphore(%arg10 : memref<!tpu.dma_semaphore, #tpu.memory_space<semaphore_mem>>) src(%dma_wait3A_432 : memref<80x128xf32, #tpu.memory_space<vmem>>) dst(%dma_wait3A_429 : memref<80x128xf32, #tpu.memory_space<hbm>>)
        %dma_wait3A_433 = arith.constant 80 : i32
        %dma_wait3A_434 = arith.constant 0 : i32
        %dma_wait3A_435 = tpu.memref_slice %arg6[%dma_wait3A_433, %dma_wait3A_434] : memref<320x128xf32, #tpu.memory_space<vmem>> -> memref<80x128xf32, #tpu.memory_space<vmem>>
        %dma_wait3A_436 = arith.constant 80 : i32
        %dma_wait3A_437 = arith.constant 0 : i32
        %dma_wait3A_438 = tpu.memref_slice %arg4[%dma_wait3A_436, %dma_wait3A_437] : memref<819200x128xf32, #tpu.memory_space<hbm>> -> memref<80x128xf32, #tpu.memory_space<hbm>>
        %dma_wait3A_439 = arith.constant 80 : i32
        %dma_wait3A_440 = arith.constant 0 : i32
        %dma_wait3A_441 = tpu.memref_slice %arg4[%dma_wait3A_439, %dma_wait3A_440] : memref<819200x128xf32, #tpu.memory_space<hbm>> -> memref<80x128xf32, #tpu.memory_space<hbm>>
        %dma_wait3A_442 = arith.constant 80 : i32
        %dma_wait3A_443 = arith.constant 0 : i32
        %dma_wait3A_444 = tpu.memref_slice %arg6[%dma_wait3A_442, %dma_wait3A_443] : memref<320x128xf32, #tpu.memory_space<vmem>> -> memref<80x128xf32, #tpu.memory_space<vmem>>
        tpu.wait_dma2 semaphore(%arg10 : memref<!tpu.dma_semaphore, #tpu.memory_space<semaphore_mem>>) src(%dma_wait3A_444 : memref<80x128xf32, #tpu.memory_space<vmem>>) dst(%dma_wait3A_441 : memref<80x128xf32, #tpu.memory_space<hbm>>)
        %dma_wait3A_445 = arith.constant 160 : i32
        %dma_wait3A_446 = arith.constant 0 : i32
        %dma_wait3A_447 = tpu.memref_slice %arg6[%dma_wait3A_445, %dma_wait3A_446] : memref<320x128xf32, #tpu.memory_space<vmem>> -> memref<80x128xf32, #tpu.memory_space<vmem>>
        %dma_wait3A_448 = arith.constant 160 : i32
        %dma_wait3A_449 = arith.constant 0 : i32
        %dma_wait3A_450 = tpu.memref_slice %arg4[%dma_wait3A_448, %dma_wait3A_449] : memref<819200x128xf32, #tpu.memory_space<hbm>> -> memref<80x128xf32, #tpu.memory_space<hbm>>
        %dma_wait3A_451 = arith.constant 160 : i32
        %dma_wait3A_452 = arith.constant 0 : i32
        %dma_wait3A_453 = tpu.memref_slice %arg4[%dma_wait3A_451, %dma_wait3A_452] : memref<819200x128xf32, #tpu.memory_space<hbm>> -> memref<80x128xf32, #tpu.memory_space<hbm>>
        %dma_wait3A_454 = arith.constant 160 : i32
        %dma_wait3A_455 = arith.constant 0 : i32
        %dma_wait3A_456 = tpu.memref_slice %arg6[%dma_wait3A_454, %dma_wait3A_455] : memref<320x128xf32, #tpu.memory_space<vmem>> -> memref<80x128xf32, #tpu.memory_space<vmem>>
        tpu.wait_dma2 semaphore(%arg10 : memref<!tpu.dma_semaphore, #tpu.memory_space<semaphore_mem>>) src(%dma_wait3A_456 : memref<80x128xf32, #tpu.memory_space<vmem>>) dst(%dma_wait3A_453 : memref<80x128xf32, #tpu.memory_space<hbm>>)
        %dma_wait3A_457 = arith.constant 240 : i32
        %dma_wait3A_458 = arith.constant 0 : i32
        %dma_wait3A_459 = tpu.memref_slice %arg6[%dma_wait3A_457, %dma_wait3A_458] : memref<320x128xf32, #tpu.memory_space<vmem>> -> memref<80x128xf32, #tpu.memory_space<vmem>>
        %dma_wait3A_460 = arith.constant 240 : i32
        %dma_wait3A_461 = arith.constant 0 : i32
        %dma_wait3A_462 = tpu.memref_slice %arg4[%dma_wait3A_460, %dma_wait3A_461] : memref<819200x128xf32, #tpu.memory_space<hbm>> -> memref<80x128xf32, #tpu.memory_space<hbm>>
        %dma_wait3A_463 = arith.constant 240 : i32
        %dma_wait3A_464 = arith.constant 0 : i32
        %dma_wait3A_465 = tpu.memref_slice %arg4[%dma_wait3A_463, %dma_wait3A_464] : memref<819200x128xf32, #tpu.memory_space<hbm>> -> memref<80x128xf32, #tpu.memory_space<hbm>>
        %dma_wait3A_466 = arith.constant 240 : i32
        %dma_wait3A_467 = arith.constant 0 : i32
        %dma_wait3A_468 = tpu.memref_slice %arg6[%dma_wait3A_466, %dma_wait3A_467] : memref<320x128xf32, #tpu.memory_space<vmem>> -> memref<80x128xf32, #tpu.memory_space<vmem>>
        tpu.wait_dma2 semaphore(%arg10 : memref<!tpu.dma_semaphore, #tpu.memory_space<semaphore_mem>>) src(%dma_wait3A_468 : memref<80x128xf32, #tpu.memory_space<vmem>>) dst(%dma_wait3A_465 : memref<80x128xf32, #tpu.memory_space<hbm>>)
        %mul3A_469 = arith.constant 4 : i32
        %mul3A_470 = arith.muli %mul3A_236, %mul3A_469 : i32
        %add3A_471 = arith.constant 0 : i32
        %add3A_472 = arith.addi %mul3A_470, %add3A_471 : i32
        %dma_start3A_473 = arith.constant 0 : i32
        %dma_start3A_474 = arith.constant 0 : i32
        %dma_start3A_475 = tpu.memref_slice %arg6[%dma_start3A_473, %dma_start3A_474] : memref<320x128xf32, #tpu.memory_space<vmem>> -> memref<80x128xf32, #tpu.memory_space<vmem>>
        %dma_start3A_476 = arith.constant 0 : i32
        %dma_start3A_477 = tpu.memref_slice %arg5[%add3A_472, %dma_start3A_476] : memref<320x80xi32, #tpu.memory_space<vmem>> -> memref<1x80xi32, #tpu.memory_space<vmem>>
        %dma_start3A_478 = tpu.memref_squeeze %dma_start3A_477 : memref<1x80xi32, #tpu.memory_space<vmem>> -> memref<80xi32, #tpu.memory_space<vmem>>
        %dma_start3A_479 = arith.constant 0 : i32
        %dma_start3A_480 = arith.constant 0 : i32
        %dma_start3A_481 = tpu.memref_slice %arg3[%dma_start3A_479, %dma_start3A_480] : memref<1000000x128xf32, #tpu.memory_space<hbm>> -> memref<1000000x128xf32, #tpu.memory_space<hbm>>
        tpu.enqueue_indirect_dma source(%dma_start3A_481 : memref<1000000x128xf32, #tpu.memory_space<hbm>>) target(%dma_start3A_475 : memref<80x128xf32, #tpu.memory_space<vmem>>) offsets(%dma_start3A_478 : memref<80xi32, #tpu.memory_space<vmem>>) semaphore(%arg8 : memref<!tpu.dma_semaphore, #tpu.memory_space<semaphore_mem>>)
        %mul3A_482 = arith.constant 4 : i32
        %mul3A_483 = arith.muli %mul3A_236, %mul3A_482 : i32
        %add3A_484 = arith.constant 1 : i32
        %add3A_485 = arith.addi %mul3A_483, %add3A_484 : i32
        %dma_start3A_486 = arith.constant 80 : i32
        %dma_start3A_487 = arith.constant 0 : i32
        %dma_start3A_488 = tpu.memref_slice %arg6[%dma_start3A_486, %dma_start3A_487] : memref<320x128xf32, #tpu.memory_space<vmem>> -> memref<80x128xf32, #tpu.memory_space<vmem>>
        %dma_start3A_489 = arith.constant 0 : i32
        %dma_start3A_490 = tpu.memref_slice %arg5[%add3A_485, %dma_start3A_489] : memref<320x80xi32, #tpu.memory_space<vmem>> -> memref<1x80xi32, #tpu.memory_space<vmem>>
        %dma_start3A_491 = tpu.memref_squeeze %dma_start3A_490 : memref<1x80xi32, #tpu.memory_space<vmem>> -> memref<80xi32, #tpu.memory_space<vmem>>
        %dma_start3A_492 = arith.constant 0 : i32
        %dma_start3A_493 = arith.constant 0 : i32
        %dma_start3A_494 = tpu.memref_slice %arg3[%dma_start3A_492, %dma_start3A_493] : memref<1000000x128xf32, #tpu.memory_space<hbm>> -> memref<1000000x128xf32, #tpu.memory_space<hbm>>
        tpu.enqueue_indirect_dma source(%dma_start3A_494 : memref<1000000x128xf32, #tpu.memory_space<hbm>>) target(%dma_start3A_488 : memref<80x128xf32, #tpu.memory_space<vmem>>) offsets(%dma_start3A_491 : memref<80xi32, #tpu.memory_space<vmem>>) semaphore(%arg8 : memref<!tpu.dma_semaphore, #tpu.memory_space<semaphore_mem>>)
        %mul3A_495 = arith.constant 4 : i32
        %mul3A_496 = arith.muli %mul3A_236, %mul3A_495 : i32
        %add3A_497 = arith.constant 2 : i32
        %add3A_498 = arith.addi %mul3A_496, %add3A_497 : i32
        %dma_start3A_499 = arith.constant 160 : i32
        %dma_start3A_500 = arith.constant 0 : i32
        %dma_start3A_501 = tpu.memref_slice %arg6[%dma_start3A_499, %dma_start3A_500] : memref<320x128xf32, #tpu.memory_space<vmem>> -> memref<80x128xf32, #tpu.memory_space<vmem>>
        %dma_start3A_502 = arith.constant 0 : i32
        %dma_start3A_503 = tpu.memref_slice %arg5[%add3A_498, %dma_start3A_502] : memref<320x80xi32, #tpu.memory_space<vmem>> -> memref<1x80xi32, #tpu.memory_space<vmem>>
        %dma_start3A_504 = tpu.memref_squeeze %dma_start3A_503 : memref<1x80xi32, #tpu.memory_space<vmem>> -> memref<80xi32, #tpu.memory_space<vmem>>
        %dma_start3A_505 = arith.constant 0 : i32
        %dma_start3A_506 = arith.constant 0 : i32
        %dma_start3A_507 = tpu.memref_slice %arg3[%dma_start3A_505, %dma_start3A_506] : memref<1000000x128xf32, #tpu.memory_space<hbm>> -> memref<1000000x128xf32, #tpu.memory_space<hbm>>
        tpu.enqueue_indirect_dma source(%dma_start3A_507 : memref<1000000x128xf32, #tpu.memory_space<hbm>>) target(%dma_start3A_501 : memref<80x128xf32, #tpu.memory_space<vmem>>) offsets(%dma_start3A_504 : memref<80xi32, #tpu.memory_space<vmem>>) semaphore(%arg8 : memref<!tpu.dma_semaphore, #tpu.memory_space<semaphore_mem>>)
        %mul3A_508 = arith.constant 4 : i32
        %mul3A_509 = arith.muli %mul3A_236, %mul3A_508 : i32
        %add3A_510 = arith.constant 3 : i32
        %add3A_511 = arith.addi %mul3A_509, %add3A_510 : i32
        %dma_start3A_512 = arith.constant 240 : i32
        %dma_start3A_513 = arith.constant 0 : i32
        %dma_start3A_514 = tpu.memref_slice %arg6[%dma_start3A_512, %dma_start3A_513] : memref<320x128xf32, #tpu.memory_space<vmem>> -> memref<80x128xf32, #tpu.memory_space<vmem>>
        %dma_start3A_515 = arith.constant 0 : i32
        %dma_start3A_516 = tpu.memref_slice %arg5[%add3A_511, %dma_start3A_515] : memref<320x80xi32, #tpu.memory_space<vmem>> -> memref<1x80xi32, #tpu.memory_space<vmem>>
        %dma_start3A_517 = tpu.memref_squeeze %dma_start3A_516 : memref<1x80xi32, #tpu.memory_space<vmem>> -> memref<80xi32, #tpu.memory_space<vmem>>
        %dma_start3A_518 = arith.constant 0 : i32
        %dma_start3A_519 = arith.constant 0 : i32
        %dma_start3A_520 = tpu.memref_slice %arg3[%dma_start3A_518, %dma_start3A_519] : memref<1000000x128xf32, #tpu.memory_space<hbm>> -> memref<1000000x128xf32, #tpu.memory_space<hbm>>
        tpu.enqueue_indirect_dma source(%dma_start3A_520 : memref<1000000x128xf32, #tpu.memory_space<hbm>>) target(%dma_start3A_514 : memref<80x128xf32, #tpu.memory_space<vmem>>) offsets(%dma_start3A_517 : memref<80xi32, #tpu.memory_space<vmem>>) semaphore(%arg8 : memref<!tpu.dma_semaphore, #tpu.memory_space<semaphore_mem>>)
        %sub3A = arith.constant 1 : i32
        %sub3A_521 = arith.subi %mul3A_236, %sub3A : i32
        %mul3A_522 = arith.constant 4 : i32
        %mul3A_523 = arith.muli %sub3A_521, %mul3A_522 : i32
        %add3A_524 = arith.constant 0 : i32
        %add3A_525 = arith.addi %mul3A_523, %add3A_524 : i32
        %dma_wait3A_526 = arith.constant 0 : i32
        %dma_wait3A_527 = arith.constant 0 : i32
        %dma_wait3A_528 = tpu.memref_slice %arg7[%dma_wait3A_526, %dma_wait3A_527] : memref<320x128xf32, #tpu.memory_space<vmem>> -> memref<80x128xf32, #tpu.memory_space<vmem>>
        %dma_wait3A_529 = arith.constant 0 : i32
        %dma_wait3A_530 = tpu.memref_slice %arg5[%add3A_525, %dma_wait3A_529] : memref<320x80xi32, #tpu.memory_space<vmem>> -> memref<1x80xi32, #tpu.memory_space<vmem>>
        %dma_wait3A_531 = tpu.memref_squeeze %dma_wait3A_530 : memref<1x80xi32, #tpu.memory_space<vmem>> -> memref<80xi32, #tpu.memory_space<vmem>>
        %dma_wait3A_532 = arith.constant 0 : i32
        %dma_wait3A_533 = arith.constant 0 : i32
        %dma_wait3A_534 = tpu.memref_slice %arg3[%dma_wait3A_532, %dma_wait3A_533] : memref<1000000x128xf32, #tpu.memory_space<hbm>> -> memref<1000000x128xf32, #tpu.memory_space<hbm>>
        tpu.wait_indirect_dma semaphore(%arg9 : memref<!tpu.dma_semaphore, #tpu.memory_space<semaphore_mem>>) src(%dma_wait3A_534 : memref<1000000x128xf32, #tpu.memory_space<hbm>>) dst(%dma_wait3A_528 : memref<80x128xf32, #tpu.memory_space<vmem>>)
        %mul3A_535 = arith.constant 4 : i32
        %mul3A_536 = arith.muli %sub3A_521, %mul3A_535 : i32
        %add3A_537 = arith.constant 1 : i32
        %add3A_538 = arith.addi %mul3A_536, %add3A_537 : i32
        %dma_wait3A_539 = arith.constant 80 : i32
        %dma_wait3A_540 = arith.constant 0 : i32
        %dma_wait3A_541 = tpu.memref_slice %arg7[%dma_wait3A_539, %dma_wait3A_540] : memref<320x128xf32, #tpu.memory_space<vmem>> -> memref<80x128xf32, #tpu.memory_space<vmem>>
        %dma_wait3A_542 = arith.constant 0 : i32
        %dma_wait3A_543 = tpu.memref_slice %arg5[%add3A_538, %dma_wait3A_542] : memref<320x80xi32, #tpu.memory_space<vmem>> -> memref<1x80xi32, #tpu.memory_space<vmem>>
        %dma_wait3A_544 = tpu.memref_squeeze %dma_wait3A_543 : memref<1x80xi32, #tpu.memory_space<vmem>> -> memref<80xi32, #tpu.memory_space<vmem>>
        %dma_wait3A_545 = arith.constant 0 : i32
        %dma_wait3A_546 = arith.constant 0 : i32
        %dma_wait3A_547 = tpu.memref_slice %arg3[%dma_wait3A_545, %dma_wait3A_546] : memref<1000000x128xf32, #tpu.memory_space<hbm>> -> memref<1000000x128xf32, #tpu.memory_space<hbm>>
        tpu.wait_indirect_dma semaphore(%arg9 : memref<!tpu.dma_semaphore, #tpu.memory_space<semaphore_mem>>) src(%dma_wait3A_547 : memref<1000000x128xf32, #tpu.memory_space<hbm>>) dst(%dma_wait3A_541 : memref<80x128xf32, #tpu.memory_space<vmem>>)
        %mul3A_548 = arith.constant 4 : i32
        %mul3A_549 = arith.muli %sub3A_521, %mul3A_548 : i32
        %add3A_550 = arith.constant 2 : i32
        %add3A_551 = arith.addi %mul3A_549, %add3A_550 : i32
        %dma_wait3A_552 = arith.constant 160 : i32
        %dma_wait3A_553 = arith.constant 0 : i32
        %dma_wait3A_554 = tpu.memref_slice %arg7[%dma_wait3A_552, %dma_wait3A_553] : memref<320x128xf32, #tpu.memory_space<vmem>> -> memref<80x128xf32, #tpu.memory_space<vmem>>
        %dma_wait3A_555 = arith.constant 0 : i32
        %dma_wait3A_556 = tpu.memref_slice %arg5[%add3A_551, %dma_wait3A_555] : memref<320x80xi32, #tpu.memory_space<vmem>> -> memref<1x80xi32, #tpu.memory_space<vmem>>
        %dma_wait3A_557 = tpu.memref_squeeze %dma_wait3A_556 : memref<1x80xi32, #tpu.memory_space<vmem>> -> memref<80xi32, #tpu.memory_space<vmem>>
        %dma_wait3A_558 = arith.constant 0 : i32
        %dma_wait3A_559 = arith.constant 0 : i32
        %dma_wait3A_560 = tpu.memref_slice %arg3[%dma_wait3A_558, %dma_wait3A_559] : memref<1000000x128xf32, #tpu.memory_space<hbm>> -> memref<1000000x128xf32, #tpu.memory_space<hbm>>
        tpu.wait_indirect_dma semaphore(%arg9 : memref<!tpu.dma_semaphore, #tpu.memory_space<semaphore_mem>>) src(%dma_wait3A_560 : memref<1000000x128xf32, #tpu.memory_space<hbm>>) dst(%dma_wait3A_554 : memref<80x128xf32, #tpu.memory_space<vmem>>)
        %mul3A_561 = arith.constant 4 : i32
        %mul3A_562 = arith.muli %sub3A_521, %mul3A_561 : i32
        %add3A_563 = arith.constant 3 : i32
        %add3A_564 = arith.addi %mul3A_562, %add3A_563 : i32
        %dma_wait3A_565 = arith.constant 240 : i32
        %dma_wait3A_566 = arith.constant 0 : i32
        %dma_wait3A_567 = tpu.memref_slice %arg7[%dma_wait3A_565, %dma_wait3A_566] : memref<320x128xf32, #tpu.memory_space<vmem>> -> memref<80x128xf32, #tpu.memory_space<vmem>>
        %dma_wait3A_568 = arith.constant 0 : i32
        %dma_wait3A_569 = tpu.memref_slice %arg5[%add3A_564, %dma_wait3A_568] : memref<320x80xi32, #tpu.memory_space<vmem>> -> memref<1x80xi32, #tpu.memory_space<vmem>>
        %dma_wait3A_570 = tpu.memref_squeeze %dma_wait3A_569 : memref<1x80xi32, #tpu.memory_space<vmem>> -> memref<80xi32, #tpu.memory_space<vmem>>
        %dma_wait3A_571 = arith.constant 0 : i32
        %dma_wait3A_572 = arith.constant 0 : i32
        %dma_wait3A_573 = tpu.memref_slice %arg3[%dma_wait3A_571, %dma_wait3A_572] : memref<1000000x128xf32, #tpu.memory_space<hbm>> -> memref<1000000x128xf32, #tpu.memory_space<hbm>>
        tpu.wait_indirect_dma semaphore(%arg9 : memref<!tpu.dma_semaphore, #tpu.memory_space<semaphore_mem>>) src(%dma_wait3A_573 : memref<1000000x128xf32, #tpu.memory_space<hbm>>) dst(%dma_wait3A_567 : memref<80x128xf32, #tpu.memory_space<vmem>>)
        %sub3A_574 = arith.constant 1 : i32
        %sub3A_575 = arith.subi %mul3A_236, %sub3A_574 : i32
        %mul3A_576 = arith.constant 4 : i32
        %mul3A_577 = arith.muli %sub3A_575, %mul3A_576 : i32
        %add3A_578 = arith.constant 0 : i32
        %add3A_579 = arith.addi %mul3A_577, %add3A_578 : i32
        %mul3A_580 = arith.constant 80 : i32
        %mul3A_581 = arith.muli %add3A_579, %mul3A_580 : i32
        %add3A_582 = arith.addi %mul3A_2, %mul3A_581 : i32
        %dma_start3A_583 = arith.constant 0 : i32
        %dma_start3A_584 = arith.constant 0 : i32
        %dma_start3A_585 = tpu.memref_slice %arg7[%dma_start3A_583, %dma_start3A_584] : memref<320x128xf32, #tpu.memory_space<vmem>> -> memref<80x128xf32, #tpu.memory_space<vmem>>
        %dma_start3A_586 = arith.constant 0 : i32
        %dma_start3A_587 = tpu.memref_slice %arg4[%add3A_582, %dma_start3A_586] : memref<819200x128xf32, #tpu.memory_space<hbm>> -> memref<80x128xf32, #tpu.memory_space<hbm>>
        %dma_start3A_588 = arith.constant 0 : i32
        %dma_start3A_589 = tpu.memref_slice %arg4[%add3A_582, %dma_start3A_588] : memref<819200x128xf32, #tpu.memory_space<hbm>> -> memref<80x128xf32, #tpu.memory_space<hbm>>
        %dma_start3A_590 = arith.constant 0 : i32
        %dma_start3A_591 = arith.constant 0 : i32
        %dma_start3A_592 = tpu.memref_slice %arg7[%dma_start3A_590, %dma_start3A_591] : memref<320x128xf32, #tpu.memory_space<vmem>> -> memref<80x128xf32, #tpu.memory_space<vmem>>
        tpu.enqueue_dma source(%dma_start3A_592 : memref<80x128xf32, #tpu.memory_space<vmem>>) target(%dma_start3A_589 : memref<80x128xf32, #tpu.memory_space<hbm>>) target_semaphore(%arg11 : memref<!tpu.dma_semaphore, #tpu.memory_space<semaphore_mem>>)
        %mul3A_593 = arith.constant 4 : i32
        %mul3A_594 = arith.muli %sub3A_575, %mul3A_593 : i32
        %add3A_595 = arith.constant 1 : i32
        %add3A_596 = arith.addi %mul3A_594, %add3A_595 : i32
        %mul3A_597 = arith.constant 80 : i32
        %mul3A_598 = arith.muli %add3A_596, %mul3A_597 : i32
        %add3A_599 = arith.addi %mul3A_2, %mul3A_598 : i32
        %dma_start3A_600 = arith.constant 80 : i32
        %dma_start3A_601 = arith.constant 0 : i32
        %dma_start3A_602 = tpu.memref_slice %arg7[%dma_start3A_600, %dma_start3A_601] : memref<320x128xf32, #tpu.memory_space<vmem>> -> memref<80x128xf32, #tpu.memory_space<vmem>>
        %dma_start3A_603 = arith.constant 0 : i32
        %dma_start3A_604 = tpu.memref_slice %arg4[%add3A_599, %dma_start3A_603] : memref<819200x128xf32, #tpu.memory_space<hbm>> -> memref<80x128xf32, #tpu.memory_space<hbm>>
        %dma_start3A_605 = arith.constant 0 : i32
        %dma_start3A_606 = tpu.memref_slice %arg4[%add3A_599, %dma_start3A_605] : memref<819200x128xf32, #tpu.memory_space<hbm>> -> memref<80x128xf32, #tpu.memory_space<hbm>>
        %dma_start3A_607 = arith.constant 80 : i32
        %dma_start3A_608 = arith.constant 0 : i32
        %dma_start3A_609 = tpu.memref_slice %arg7[%dma_start3A_607, %dma_start3A_608] : memref<320x128xf32, #tpu.memory_space<vmem>> -> memref<80x128xf32, #tpu.memory_space<vmem>>
        tpu.enqueue_dma source(%dma_start3A_609 : memref<80x128xf32, #tpu.memory_space<vmem>>) target(%dma_start3A_606 : memref<80x128xf32, #tpu.memory_space<hbm>>) target_semaphore(%arg11 : memref<!tpu.dma_semaphore, #tpu.memory_space<semaphore_mem>>)
        %mul3A_610 = arith.constant 4 : i32
        %mul3A_611 = arith.muli %sub3A_575, %mul3A_610 : i32
        %add3A_612 = arith.constant 2 : i32
        %add3A_613 = arith.addi %mul3A_611, %add3A_612 : i32
        %mul3A_614 = arith.constant 80 : i32
        %mul3A_615 = arith.muli %add3A_613, %mul3A_614 : i32
        %add3A_616 = arith.addi %mul3A_2, %mul3A_615 : i32
        %dma_start3A_617 = arith.constant 160 : i32
        %dma_start3A_618 = arith.constant 0 : i32
        %dma_start3A_619 = tpu.memref_slice %arg7[%dma_start3A_617, %dma_start3A_618] : memref<320x128xf32, #tpu.memory_space<vmem>> -> memref<80x128xf32, #tpu.memory_space<vmem>>
        %dma_start3A_620 = arith.constant 0 : i32
        %dma_start3A_621 = tpu.memref_slice %arg4[%add3A_616, %dma_start3A_620] : memref<819200x128xf32, #tpu.memory_space<hbm>> -> memref<80x128xf32, #tpu.memory_space<hbm>>
        %dma_start3A_622 = arith.constant 0 : i32
        %dma_start3A_623 = tpu.memref_slice %arg4[%add3A_616, %dma_start3A_622] : memref<819200x128xf32, #tpu.memory_space<hbm>> -> memref<80x128xf32, #tpu.memory_space<hbm>>
        %dma_start3A_624 = arith.constant 160 : i32
        %dma_start3A_625 = arith.constant 0 : i32
        %dma_start3A_626 = tpu.memref_slice %arg7[%dma_start3A_624, %dma_start3A_625] : memref<320x128xf32, #tpu.memory_space<vmem>> -> memref<80x128xf32, #tpu.memory_space<vmem>>
        tpu.enqueue_dma source(%dma_start3A_626 : memref<80x128xf32, #tpu.memory_space<vmem>>) target(%dma_start3A_623 : memref<80x128xf32, #tpu.memory_space<hbm>>) target_semaphore(%arg11 : memref<!tpu.dma_semaphore, #tpu.memory_space<semaphore_mem>>)
        %mul3A_627 = arith.constant 4 : i32
        %mul3A_628 = arith.muli %sub3A_575, %mul3A_627 : i32
        %add3A_629 = arith.constant 3 : i32
        %add3A_630 = arith.addi %mul3A_628, %add3A_629 : i32
        %mul3A_631 = arith.constant 80 : i32
        %mul3A_632 = arith.muli %add3A_630, %mul3A_631 : i32
        %add3A_633 = arith.addi %mul3A_2, %mul3A_632 : i32
        %dma_start3A_634 = arith.constant 240 : i32
        %dma_start3A_635 = arith.constant 0 : i32
        %dma_start3A_636 = tpu.memref_slice %arg7[%dma_start3A_634, %dma_start3A_635] : memref<320x128xf32, #tpu.memory_space<vmem>> -> memref<80x128xf32, #tpu.memory_space<vmem>>
        %dma_start3A_637 = arith.constant 0 : i32
        %dma_start3A_638 = tpu.memref_slice %arg4[%add3A_633, %dma_start3A_637] : memref<819200x128xf32, #tpu.memory_space<hbm>> -> memref<80x128xf32, #tpu.memory_space<hbm>>
        %dma_start3A_639 = arith.constant 0 : i32
        %dma_start3A_640 = tpu.memref_slice %arg4[%add3A_633, %dma_start3A_639] : memref<819200x128xf32, #tpu.memory_space<hbm>> -> memref<80x128xf32, #tpu.memory_space<hbm>>
        %dma_start3A_641 = arith.constant 240 : i32
        %dma_start3A_642 = arith.constant 0 : i32
        %dma_start3A_643 = tpu.memref_slice %arg7[%dma_start3A_641, %dma_start3A_642] : memref<320x128xf32, #tpu.memory_space<vmem>> -> memref<80x128xf32, #tpu.memory_space<vmem>>
        tpu.enqueue_dma source(%dma_start3A_643 : memref<80x128xf32, #tpu.memory_space<vmem>>) target(%dma_start3A_640 : memref<80x128xf32, #tpu.memory_space<hbm>>) target_semaphore(%arg11 : memref<!tpu.dma_semaphore, #tpu.memory_space<semaphore_mem>>)
      } else {
      }
      %ge3A_243 = arith.constant 1 : i32
      %ge3A_244 = arith.cmpi sge, %scan3A_233, %ge3A_243 : i32
      %convert_element_type3A_245 = arith.extui %ge3A_244 : i1 to i32
      %cond3A_246 = arith.constant 0 : i32
      %cond3A_247 = arith.cmpi ne, %convert_element_type3A_245, %cond3A_246 : i32
      scf.if %cond3A_247 {
        %dma_wait3A_421 = arith.constant 0 : i32
        %dma_wait3A_422 = arith.constant 0 : i32
        %dma_wait3A_423 = tpu.memref_slice %arg7[%dma_wait3A_421, %dma_wait3A_422] : memref<320x128xf32, #tpu.memory_space<vmem>> -> memref<80x128xf32, #tpu.memory_space<vmem>>
        %dma_wait3A_424 = arith.constant 0 : i32
        %dma_wait3A_425 = arith.constant 0 : i32
        %dma_wait3A_426 = tpu.memref_slice %arg4[%dma_wait3A_424, %dma_wait3A_425] : memref<819200x128xf32, #tpu.memory_space<hbm>> -> memref<80x128xf32, #tpu.memory_space<hbm>>
        %dma_wait3A_427 = arith.constant 0 : i32
        %dma_wait3A_428 = arith.constant 0 : i32
        %dma_wait3A_429 = tpu.memref_slice %arg4[%dma_wait3A_427, %dma_wait3A_428] : memref<819200x128xf32, #tpu.memory_space<hbm>> -> memref<80x128xf32, #tpu.memory_space<hbm>>
        %dma_wait3A_430 = arith.constant 0 : i32
        %dma_wait3A_431 = arith.constant 0 : i32
        %dma_wait3A_432 = tpu.memref_slice %arg7[%dma_wait3A_430, %dma_wait3A_431] : memref<320x128xf32, #tpu.memory_space<vmem>> -> memref<80x128xf32, #tpu.memory_space<vmem>>
        tpu.wait_dma2 semaphore(%arg11 : memref<!tpu.dma_semaphore, #tpu.memory_space<semaphore_mem>>) src(%dma_wait3A_432 : memref<80x128xf32, #tpu.memory_space<vmem>>) dst(%dma_wait3A_429 : memref<80x128xf32, #tpu.memory_space<hbm>>)
        %dma_wait3A_433 = arith.constant 80 : i32
        %dma_wait3A_434 = arith.constant 0 : i32
        %dma_wait3A_435 = tpu.memref_slice %arg7[%dma_wait3A_433, %dma_wait3A_434] : memref<320x128xf32, #tpu.memory_space<vmem>> -> memref<80x128xf32, #tpu.memory_space<vmem>>
        %dma_wait3A_436 = arith.constant 80 : i32
        %dma_wait3A_437 = arith.constant 0 : i32
        %dma_wait3A_438 = tpu.memref_slice %arg4[%dma_wait3A_436, %dma_wait3A_437] : memref<819200x128xf32, #tpu.memory_space<hbm>> -> memref<80x128xf32, #tpu.memory_space<hbm>>
        %dma_wait3A_439 = arith.constant 80 : i32
        %dma_wait3A_440 = arith.constant 0 : i32
        %dma_wait3A_441 = tpu.memref_slice %arg4[%dma_wait3A_439, %dma_wait3A_440] : memref<819200x128xf32, #tpu.memory_space<hbm>> -> memref<80x128xf32, #tpu.memory_space<hbm>>
        %dma_wait3A_442 = arith.constant 80 : i32
        %dma_wait3A_443 = arith.constant 0 : i32
        %dma_wait3A_444 = tpu.memref_slice %arg7[%dma_wait3A_442, %dma_wait3A_443] : memref<320x128xf32, #tpu.memory_space<vmem>> -> memref<80x128xf32, #tpu.memory_space<vmem>>
        tpu.wait_dma2 semaphore(%arg11 : memref<!tpu.dma_semaphore, #tpu.memory_space<semaphore_mem>>) src(%dma_wait3A_444 : memref<80x128xf32, #tpu.memory_space<vmem>>) dst(%dma_wait3A_441 : memref<80x128xf32, #tpu.memory_space<hbm>>)
        %dma_wait3A_445 = arith.constant 160 : i32
        %dma_wait3A_446 = arith.constant 0 : i32
        %dma_wait3A_447 = tpu.memref_slice %arg7[%dma_wait3A_445, %dma_wait3A_446] : memref<320x128xf32, #tpu.memory_space<vmem>> -> memref<80x128xf32, #tpu.memory_space<vmem>>
        %dma_wait3A_448 = arith.constant 160 : i32
        %dma_wait3A_449 = arith.constant 0 : i32
        %dma_wait3A_450 = tpu.memref_slice %arg4[%dma_wait3A_448, %dma_wait3A_449] : memref<819200x128xf32, #tpu.memory_space<hbm>> -> memref<80x128xf32, #tpu.memory_space<hbm>>
        %dma_wait3A_451 = arith.constant 160 : i32
        %dma_wait3A_452 = arith.constant 0 : i32
        %dma_wait3A_453 = tpu.memref_slice %arg4[%dma_wait3A_451, %dma_wait3A_452] : memref<819200x128xf32, #tpu.memory_space<hbm>> -> memref<80x128xf32, #tpu.memory_space<hbm>>
        %dma_wait3A_454 = arith.constant 160 : i32
        %dma_wait3A_455 = arith.constant 0 : i32
        %dma_wait3A_456 = tpu.memref_slice %arg7[%dma_wait3A_454, %dma_wait3A_455] : memref<320x128xf32, #tpu.memory_space<vmem>> -> memref<80x128xf32, #tpu.memory_space<vmem>>
        tpu.wait_dma2 semaphore(%arg11 : memref<!tpu.dma_semaphore, #tpu.memory_space<semaphore_mem>>) src(%dma_wait3A_456 : memref<80x128xf32, #tpu.memory_space<vmem>>) dst(%dma_wait3A_453 : memref<80x128xf32, #tpu.memory_space<hbm>>)
        %dma_wait3A_457 = arith.constant 240 : i32
        %dma_wait3A_458 = arith.constant 0 : i32
        %dma_wait3A_459 = tpu.memref_slice %arg7[%dma_wait3A_457, %dma_wait3A_458] : memref<320x128xf32, #tpu.memory_space<vmem>> -> memref<80x128xf32, #tpu.memory_space<vmem>>
        %dma_wait3A_460 = arith.constant 240 : i32
        %dma_wait3A_461 = arith.constant 0 : i32
        %dma_wait3A_462 = tpu.memref_slice %arg4[%dma_wait3A_460, %dma_wait3A_461] : memref<819200x128xf32, #tpu.memory_space<hbm>> -> memref<80x128xf32, #tpu.memory_space<hbm>>
        %dma_wait3A_463 = arith.constant 240 : i32
        %dma_wait3A_464 = arith.constant 0 : i32
        %dma_wait3A_465 = tpu.memref_slice %arg4[%dma_wait3A_463, %dma_wait3A_464] : memref<819200x128xf32, #tpu.memory_space<hbm>> -> memref<80x128xf32, #tpu.memory_space<hbm>>
        %dma_wait3A_466 = arith.constant 240 : i32
        %dma_wait3A_467 = arith.constant 0 : i32
        %dma_wait3A_468 = tpu.memref_slice %arg7[%dma_wait3A_466, %dma_wait3A_467] : memref<320x128xf32, #tpu.memory_space<vmem>> -> memref<80x128xf32, #tpu.memory_space<vmem>>
        tpu.wait_dma2 semaphore(%arg11 : memref<!tpu.dma_semaphore, #tpu.memory_space<semaphore_mem>>) src(%dma_wait3A_468 : memref<80x128xf32, #tpu.memory_space<vmem>>) dst(%dma_wait3A_465 : memref<80x128xf32, #tpu.memory_space<hbm>>)
      } else {
      }
      %mul3A_248 = arith.constant 4 : i32
      %mul3A_249 = arith.muli %add3A_240, %mul3A_248 : i32
      %add3A_250 = arith.constant 0 : i32
      %add3A_251 = arith.addi %mul3A_249, %add3A_250 : i32
      %dma_start3A_252 = arith.constant 0 : i32
      %dma_start3A_253 = arith.constant 0 : i32
      %dma_start3A_254 = tpu.memref_slice %arg7[%dma_start3A_252, %dma_start3A_253] : memref<320x128xf32, #tpu.memory_space<vmem>> -> memref<80x128xf32, #tpu.memory_space<vmem>>
      %dma_start3A_255 = arith.constant 0 : i32
      %dma_start3A_256 = tpu.memref_slice %arg5[%add3A_251, %dma_start3A_255] : memref<320x80xi32, #tpu.memory_space<vmem>> -> memref<1x80xi32, #tpu.memory_space<vmem>>
      %dma_start3A_257 = tpu.memref_squeeze %dma_start3A_256 : memref<1x80xi32, #tpu.memory_space<vmem>> -> memref<80xi32, #tpu.memory_space<vmem>>
      %dma_start3A_258 = arith.constant 0 : i32
      %dma_start3A_259 = arith.constant 0 : i32
      %dma_start3A_260 = tpu.memref_slice %arg3[%dma_start3A_258, %dma_start3A_259] : memref<1000000x128xf32, #tpu.memory_space<hbm>> -> memref<1000000x128xf32, #tpu.memory_space<hbm>>
      tpu.enqueue_indirect_dma source(%dma_start3A_260 : memref<1000000x128xf32, #tpu.memory_space<hbm>>) target(%dma_start3A_254 : memref<80x128xf32, #tpu.memory_space<vmem>>) offsets(%dma_start3A_257 : memref<80xi32, #tpu.memory_space<vmem>>) semaphore(%arg9 : memref<!tpu.dma_semaphore, #tpu.memory_space<semaphore_mem>>)
      %mul3A_261 = arith.constant 4 : i32
      %mul3A_262 = arith.muli %add3A_240, %mul3A_261 : i32
      %add3A_263 = arith.constant 1 : i32
      %add3A_264 = arith.addi %mul3A_262, %add3A_263 : i32
      %dma_start3A_265 = arith.constant 80 : i32
      %dma_start3A_266 = arith.constant 0 : i32
      %dma_start3A_267 = tpu.memref_slice %arg7[%dma_start3A_265, %dma_start3A_266] : memref<320x128xf32, #tpu.memory_space<vmem>> -> memref<80x128xf32, #tpu.memory_space<vmem>>
      %dma_start3A_268 = arith.constant 0 : i32
      %dma_start3A_269 = tpu.memref_slice %arg5[%add3A_264, %dma_start3A_268] : memref<320x80xi32, #tpu.memory_space<vmem>> -> memref<1x80xi32, #tpu.memory_space<vmem>>
      %dma_start3A_270 = tpu.memref_squeeze %dma_start3A_269 : memref<1x80xi32, #tpu.memory_space<vmem>> -> memref<80xi32, #tpu.memory_space<vmem>>
      %dma_start3A_271 = arith.constant 0 : i32
      %dma_start3A_272 = arith.constant 0 : i32
      %dma_start3A_273 = tpu.memref_slice %arg3[%dma_start3A_271, %dma_start3A_272] : memref<1000000x128xf32, #tpu.memory_space<hbm>> -> memref<1000000x128xf32, #tpu.memory_space<hbm>>
      tpu.enqueue_indirect_dma source(%dma_start3A_273 : memref<1000000x128xf32, #tpu.memory_space<hbm>>) target(%dma_start3A_267 : memref<80x128xf32, #tpu.memory_space<vmem>>) offsets(%dma_start3A_270 : memref<80xi32, #tpu.memory_space<vmem>>) semaphore(%arg9 : memref<!tpu.dma_semaphore, #tpu.memory_space<semaphore_mem>>)
      %mul3A_274 = arith.constant 4 : i32
      %mul3A_275 = arith.muli %add3A_240, %mul3A_274 : i32
      %add3A_276 = arith.constant 2 : i32
      %add3A_277 = arith.addi %mul3A_275, %add3A_276 : i32
      %dma_start3A_278 = arith.constant 160 : i32
      %dma_start3A_279 = arith.constant 0 : i32
      %dma_start3A_280 = tpu.memref_slice %arg7[%dma_start3A_278, %dma_start3A_279] : memref<320x128xf32, #tpu.memory_space<vmem>> -> memref<80x128xf32, #tpu.memory_space<vmem>>
      %dma_start3A_281 = arith.constant 0 : i32
      %dma_start3A_282 = tpu.memref_slice %arg5[%add3A_277, %dma_start3A_281] : memref<320x80xi32, #tpu.memory_space<vmem>> -> memref<1x80xi32, #tpu.memory_space<vmem>>
      %dma_start3A_283 = tpu.memref_squeeze %dma_start3A_282 : memref<1x80xi32, #tpu.memory_space<vmem>> -> memref<80xi32, #tpu.memory_space<vmem>>
      %dma_start3A_284 = arith.constant 0 : i32
      %dma_start3A_285 = arith.constant 0 : i32
      %dma_start3A_286 = tpu.memref_slice %arg3[%dma_start3A_284, %dma_start3A_285] : memref<1000000x128xf32, #tpu.memory_space<hbm>> -> memref<1000000x128xf32, #tpu.memory_space<hbm>>
      tpu.enqueue_indirect_dma source(%dma_start3A_286 : memref<1000000x128xf32, #tpu.memory_space<hbm>>) target(%dma_start3A_280 : memref<80x128xf32, #tpu.memory_space<vmem>>) offsets(%dma_start3A_283 : memref<80xi32, #tpu.memory_space<vmem>>) semaphore(%arg9 : memref<!tpu.dma_semaphore, #tpu.memory_space<semaphore_mem>>)
      %mul3A_287 = arith.constant 4 : i32
      %mul3A_288 = arith.muli %add3A_240, %mul3A_287 : i32
      %add3A_289 = arith.constant 3 : i32
      %add3A_290 = arith.addi %mul3A_288, %add3A_289 : i32
      %dma_start3A_291 = arith.constant 240 : i32
      %dma_start3A_292 = arith.constant 0 : i32
      %dma_start3A_293 = tpu.memref_slice %arg7[%dma_start3A_291, %dma_start3A_292] : memref<320x128xf32, #tpu.memory_space<vmem>> -> memref<80x128xf32, #tpu.memory_space<vmem>>
      %dma_start3A_294 = arith.constant 0 : i32
      %dma_start3A_295 = tpu.memref_slice %arg5[%add3A_290, %dma_start3A_294] : memref<320x80xi32, #tpu.memory_space<vmem>> -> memref<1x80xi32, #tpu.memory_space<vmem>>
      %dma_start3A_296 = tpu.memref_squeeze %dma_start3A_295 : memref<1x80xi32, #tpu.memory_space<vmem>> -> memref<80xi32, #tpu.memory_space<vmem>>
      %dma_start3A_297 = arith.constant 0 : i32
      %dma_start3A_298 = arith.constant 0 : i32
      %dma_start3A_299 = tpu.memref_slice %arg3[%dma_start3A_297, %dma_start3A_298] : memref<1000000x128xf32, #tpu.memory_space<hbm>> -> memref<1000000x128xf32, #tpu.memory_space<hbm>>
      tpu.enqueue_indirect_dma source(%dma_start3A_299 : memref<1000000x128xf32, #tpu.memory_space<hbm>>) target(%dma_start3A_293 : memref<80x128xf32, #tpu.memory_space<vmem>>) offsets(%dma_start3A_296 : memref<80xi32, #tpu.memory_space<vmem>>) semaphore(%arg9 : memref<!tpu.dma_semaphore, #tpu.memory_space<semaphore_mem>>)
      %mul3A_300 = arith.constant 4 : i32
      %mul3A_301 = arith.muli %mul3A_236, %mul3A_300 : i32
      %add3A_302 = arith.constant 0 : i32
      %add3A_303 = arith.addi %mul3A_301, %add3A_302 : i32
      %dma_wait3A_304 = arith.constant 0 : i32
      %dma_wait3A_305 = arith.constant 0 : i32
      %dma_wait3A_306 = tpu.memref_slice %arg6[%dma_wait3A_304, %dma_wait3A_305] : memref<320x128xf32, #tpu.memory_space<vmem>> -> memref<80x128xf32, #tpu.memory_space<vmem>>
      %dma_wait3A_307 = arith.constant 0 : i32
      %dma_wait3A_308 = tpu.memref_slice %arg5[%add3A_303, %dma_wait3A_307] : memref<320x80xi32, #tpu.memory_space<vmem>> -> memref<1x80xi32, #tpu.memory_space<vmem>>
      %dma_wait3A_309 = tpu.memref_squeeze %dma_wait3A_308 : memref<1x80xi32, #tpu.memory_space<vmem>> -> memref<80xi32, #tpu.memory_space<vmem>>
      %dma_wait3A_310 = arith.constant 0 : i32
      %dma_wait3A_311 = arith.constant 0 : i32
      %dma_wait3A_312 = tpu.memref_slice %arg3[%dma_wait3A_310, %dma_wait3A_311] : memref<1000000x128xf32, #tpu.memory_space<hbm>> -> memref<1000000x128xf32, #tpu.memory_space<hbm>>
      tpu.wait_indirect_dma semaphore(%arg8 : memref<!tpu.dma_semaphore, #tpu.memory_space<semaphore_mem>>) src(%dma_wait3A_312 : memref<1000000x128xf32, #tpu.memory_space<hbm>>) dst(%dma_wait3A_306 : memref<80x128xf32, #tpu.memory_space<vmem>>)
      %mul3A_313 = arith.constant 4 : i32
      %mul3A_314 = arith.muli %mul3A_236, %mul3A_313 : i32
      %add3A_315 = arith.constant 1 : i32
      %add3A_316 = arith.addi %mul3A_314, %add3A_315 : i32
      %dma_wait3A_317 = arith.constant 80 : i32
      %dma_wait3A_318 = arith.constant 0 : i32
      %dma_wait3A_319 = tpu.memref_slice %arg6[%dma_wait3A_317, %dma_wait3A_318] : memref<320x128xf32, #tpu.memory_space<vmem>> -> memref<80x128xf32, #tpu.memory_space<vmem>>
      %dma_wait3A_320 = arith.constant 0 : i32
      %dma_wait3A_321 = tpu.memref_slice %arg5[%add3A_316, %dma_wait3A_320] : memref<320x80xi32, #tpu.memory_space<vmem>> -> memref<1x80xi32, #tpu.memory_space<vmem>>
      %dma_wait3A_322 = tpu.memref_squeeze %dma_wait3A_321 : memref<1x80xi32, #tpu.memory_space<vmem>> -> memref<80xi32, #tpu.memory_space<vmem>>
      %dma_wait3A_323 = arith.constant 0 : i32
      %dma_wait3A_324 = arith.constant 0 : i32
      %dma_wait3A_325 = tpu.memref_slice %arg3[%dma_wait3A_323, %dma_wait3A_324] : memref<1000000x128xf32, #tpu.memory_space<hbm>> -> memref<1000000x128xf32, #tpu.memory_space<hbm>>
      tpu.wait_indirect_dma semaphore(%arg8 : memref<!tpu.dma_semaphore, #tpu.memory_space<semaphore_mem>>) src(%dma_wait3A_325 : memref<1000000x128xf32, #tpu.memory_space<hbm>>) dst(%dma_wait3A_319 : memref<80x128xf32, #tpu.memory_space<vmem>>)
      %mul3A_326 = arith.constant 4 : i32
      %mul3A_327 = arith.muli %mul3A_236, %mul3A_326 : i32
      %add3A_328 = arith.constant 2 : i32
      %add3A_329 = arith.addi %mul3A_327, %add3A_328 : i32
      %dma_wait3A_330 = arith.constant 160 : i32
      %dma_wait3A_331 = arith.constant 0 : i32
      %dma_wait3A_332 = tpu.memref_slice %arg6[%dma_wait3A_330, %dma_wait3A_331] : memref<320x128xf32, #tpu.memory_space<vmem>> -> memref<80x128xf32, #tpu.memory_space<vmem>>
      %dma_wait3A_333 = arith.constant 0 : i32
      %dma_wait3A_334 = tpu.memref_slice %arg5[%add3A_329, %dma_wait3A_333] : memref<320x80xi32, #tpu.memory_space<vmem>> -> memref<1x80xi32, #tpu.memory_space<vmem>>
      %dma_wait3A_335 = tpu.memref_squeeze %dma_wait3A_334 : memref<1x80xi32, #tpu.memory_space<vmem>> -> memref<80xi32, #tpu.memory_space<vmem>>
      %dma_wait3A_336 = arith.constant 0 : i32
      %dma_wait3A_337 = arith.constant 0 : i32
      %dma_wait3A_338 = tpu.memref_slice %arg3[%dma_wait3A_336, %dma_wait3A_337] : memref<1000000x128xf32, #tpu.memory_space<hbm>> -> memref<1000000x128xf32, #tpu.memory_space<hbm>>
      tpu.wait_indirect_dma semaphore(%arg8 : memref<!tpu.dma_semaphore, #tpu.memory_space<semaphore_mem>>) src(%dma_wait3A_338 : memref<1000000x128xf32, #tpu.memory_space<hbm>>) dst(%dma_wait3A_332 : memref<80x128xf32, #tpu.memory_space<vmem>>)
      %mul3A_339 = arith.constant 4 : i32
      %mul3A_340 = arith.muli %mul3A_236, %mul3A_339 : i32
      %add3A_341 = arith.constant 3 : i32
      %add3A_342 = arith.addi %mul3A_340, %add3A_341 : i32
      %dma_wait3A_343 = arith.constant 240 : i32
      %dma_wait3A_344 = arith.constant 0 : i32
      %dma_wait3A_345 = tpu.memref_slice %arg6[%dma_wait3A_343, %dma_wait3A_344] : memref<320x128xf32, #tpu.memory_space<vmem>> -> memref<80x128xf32, #tpu.memory_space<vmem>>
      %dma_wait3A_346 = arith.constant 0 : i32
      %dma_wait3A_347 = tpu.memref_slice %arg5[%add3A_342, %dma_wait3A_346] : memref<320x80xi32, #tpu.memory_space<vmem>> -> memref<1x80xi32, #tpu.memory_space<vmem>>
      %dma_wait3A_348 = tpu.memref_squeeze %dma_wait3A_347 : memref<1x80xi32, #tpu.memory_space<vmem>> -> memref<80xi32, #tpu.memory_space<vmem>>
      %dma_wait3A_349 = arith.constant 0 : i32
      %dma_wait3A_350 = arith.constant 0 : i32
      %dma_wait3A_351 = tpu.memref_slice %arg3[%dma_wait3A_349, %dma_wait3A_350] : memref<1000000x128xf32, #tpu.memory_space<hbm>> -> memref<1000000x128xf32, #tpu.memory_space<hbm>>
      tpu.wait_indirect_dma semaphore(%arg8 : memref<!tpu.dma_semaphore, #tpu.memory_space<semaphore_mem>>) src(%dma_wait3A_351 : memref<1000000x128xf32, #tpu.memory_space<hbm>>) dst(%dma_wait3A_345 : memref<80x128xf32, #tpu.memory_space<vmem>>)
      %mul3A_352 = arith.constant 4 : i32
      %mul3A_353 = arith.muli %mul3A_236, %mul3A_352 : i32
      %add3A_354 = arith.constant 0 : i32
      %add3A_355 = arith.addi %mul3A_353, %add3A_354 : i32
      %mul3A_356 = arith.constant 80 : i32
      %mul3A_357 = arith.muli %add3A_355, %mul3A_356 : i32
      %add3A_358 = arith.addi %mul3A_2, %mul3A_357 : i32
      %dma_start3A_359 = arith.constant 0 : i32
      %dma_start3A_360 = arith.constant 0 : i32
      %dma_start3A_361 = tpu.memref_slice %arg6[%dma_start3A_359, %dma_start3A_360] : memref<320x128xf32, #tpu.memory_space<vmem>> -> memref<80x128xf32, #tpu.memory_space<vmem>>
      %dma_start3A_362 = arith.constant 0 : i32
      %dma_start3A_363 = tpu.memref_slice %arg4[%add3A_358, %dma_start3A_362] : memref<819200x128xf32, #tpu.memory_space<hbm>> -> memref<80x128xf32, #tpu.memory_space<hbm>>
      %dma_start3A_364 = arith.constant 0 : i32
      %dma_start3A_365 = tpu.memref_slice %arg4[%add3A_358, %dma_start3A_364] : memref<819200x128xf32, #tpu.memory_space<hbm>> -> memref<80x128xf32, #tpu.memory_space<hbm>>
      %dma_start3A_366 = arith.constant 0 : i32
      %dma_start3A_367 = arith.constant 0 : i32
      %dma_start3A_368 = tpu.memref_slice %arg6[%dma_start3A_366, %dma_start3A_367] : memref<320x128xf32, #tpu.memory_space<vmem>> -> memref<80x128xf32, #tpu.memory_space<vmem>>
      tpu.enqueue_dma source(%dma_start3A_368 : memref<80x128xf32, #tpu.memory_space<vmem>>) target(%dma_start3A_365 : memref<80x128xf32, #tpu.memory_space<hbm>>) target_semaphore(%arg10 : memref<!tpu.dma_semaphore, #tpu.memory_space<semaphore_mem>>)
      %mul3A_369 = arith.constant 4 : i32
      %mul3A_370 = arith.muli %mul3A_236, %mul3A_369 : i32
      %add3A_371 = arith.constant 1 : i32
      %add3A_372 = arith.addi %mul3A_370, %add3A_371 : i32
      %mul3A_373 = arith.constant 80 : i32
      %mul3A_374 = arith.muli %add3A_372, %mul3A_373 : i32
      %add3A_375 = arith.addi %mul3A_2, %mul3A_374 : i32
      %dma_start3A_376 = arith.constant 80 : i32
      %dma_start3A_377 = arith.constant 0 : i32
      %dma_start3A_378 = tpu.memref_slice %arg6[%dma_start3A_376, %dma_start3A_377] : memref<320x128xf32, #tpu.memory_space<vmem>> -> memref<80x128xf32, #tpu.memory_space<vmem>>
      %dma_start3A_379 = arith.constant 0 : i32
      %dma_start3A_380 = tpu.memref_slice %arg4[%add3A_375, %dma_start3A_379] : memref<819200x128xf32, #tpu.memory_space<hbm>> -> memref<80x128xf32, #tpu.memory_space<hbm>>
      %dma_start3A_381 = arith.constant 0 : i32
      %dma_start3A_382 = tpu.memref_slice %arg4[%add3A_375, %dma_start3A_381] : memref<819200x128xf32, #tpu.memory_space<hbm>> -> memref<80x128xf32, #tpu.memory_space<hbm>>
      %dma_start3A_383 = arith.constant 80 : i32
      %dma_start3A_384 = arith.constant 0 : i32
      %dma_start3A_385 = tpu.memref_slice %arg6[%dma_start3A_383, %dma_start3A_384] : memref<320x128xf32, #tpu.memory_space<vmem>> -> memref<80x128xf32, #tpu.memory_space<vmem>>
      tpu.enqueue_dma source(%dma_start3A_385 : memref<80x128xf32, #tpu.memory_space<vmem>>) target(%dma_start3A_382 : memref<80x128xf32, #tpu.memory_space<hbm>>) target_semaphore(%arg10 : memref<!tpu.dma_semaphore, #tpu.memory_space<semaphore_mem>>)
      %mul3A_386 = arith.constant 4 : i32
      %mul3A_387 = arith.muli %mul3A_236, %mul3A_386 : i32
      %add3A_388 = arith.constant 2 : i32
      %add3A_389 = arith.addi %mul3A_387, %add3A_388 : i32
      %mul3A_390 = arith.constant 80 : i32
      %mul3A_391 = arith.muli %add3A_389, %mul3A_390 : i32
      %add3A_392 = arith.addi %mul3A_2, %mul3A_391 : i32
      %dma_start3A_393 = arith.constant 160 : i32
      %dma_start3A_394 = arith.constant 0 : i32
      %dma_start3A_395 = tpu.memref_slice %arg6[%dma_start3A_393, %dma_start3A_394] : memref<320x128xf32, #tpu.memory_space<vmem>> -> memref<80x128xf32, #tpu.memory_space<vmem>>
      %dma_start3A_396 = arith.constant 0 : i32
      %dma_start3A_397 = tpu.memref_slice %arg4[%add3A_392, %dma_start3A_396] : memref<819200x128xf32, #tpu.memory_space<hbm>> -> memref<80x128xf32, #tpu.memory_space<hbm>>
      %dma_start3A_398 = arith.constant 0 : i32
      %dma_start3A_399 = tpu.memref_slice %arg4[%add3A_392, %dma_start3A_398] : memref<819200x128xf32, #tpu.memory_space<hbm>> -> memref<80x128xf32, #tpu.memory_space<hbm>>
      %dma_start3A_400 = arith.constant 160 : i32
      %dma_start3A_401 = arith.constant 0 : i32
      %dma_start3A_402 = tpu.memref_slice %arg6[%dma_start3A_400, %dma_start3A_401] : memref<320x128xf32, #tpu.memory_space<vmem>> -> memref<80x128xf32, #tpu.memory_space<vmem>>
      tpu.enqueue_dma source(%dma_start3A_402 : memref<80x128xf32, #tpu.memory_space<vmem>>) target(%dma_start3A_399 : memref<80x128xf32, #tpu.memory_space<hbm>>) target_semaphore(%arg10 : memref<!tpu.dma_semaphore, #tpu.memory_space<semaphore_mem>>)
      %mul3A_403 = arith.constant 4 : i32
      %mul3A_404 = arith.muli %mul3A_236, %mul3A_403 : i32
      %add3A_405 = arith.constant 3 : i32
      %add3A_406 = arith.addi %mul3A_404, %add3A_405 : i32
      %mul3A_407 = arith.constant 80 : i32
      %mul3A_408 = arith.muli %add3A_406, %mul3A_407 : i32
      %add3A_409 = arith.addi %mul3A_2, %mul3A_408 : i32
      %dma_start3A_410 = arith.constant 240 : i32
      %dma_start3A_411 = arith.constant 0 : i32
      %dma_start3A_412 = tpu.memref_slice %arg6[%dma_start3A_410, %dma_start3A_411] : memref<320x128xf32, #tpu.memory_space<vmem>> -> memref<80x128xf32, #tpu.memory_space<vmem>>
      %dma_start3A_413 = arith.constant 0 : i32
      %dma_start3A_414 = tpu.memref_slice %arg4[%add3A_409, %dma_start3A_413] : memref<819200x128xf32, #tpu.memory_space<hbm>> -> memref<80x128xf32, #tpu.memory_space<hbm>>
      %dma_start3A_415 = arith.constant 0 : i32
      %dma_start3A_416 = tpu.memref_slice %arg4[%add3A_409, %dma_start3A_415] : memref<819200x128xf32, #tpu.memory_space<hbm>> -> memref<80x128xf32, #tpu.memory_space<hbm>>
      %dma_start3A_417 = arith.constant 240 : i32
      %dma_start3A_418 = arith.constant 0 : i32
      %dma_start3A_419 = tpu.memref_slice %arg6[%dma_start3A_417, %dma_start3A_418] : memref<320x128xf32, #tpu.memory_space<vmem>> -> memref<80x128xf32, #tpu.memory_space<vmem>>
      tpu.enqueue_dma source(%dma_start3A_419 : memref<80x128xf32, #tpu.memory_space<vmem>>) target(%dma_start3A_416 : memref<80x128xf32, #tpu.memory_space<hbm>>) target_semaphore(%arg10 : memref<!tpu.dma_semaphore, #tpu.memory_space<semaphore_mem>>)
      %scan3A_420 = arith.constant 0 : i32
      scf.yield %scan3A_420 : i32
    }
    %scan3A_49 = arith.constant 40 : i32
    %dma_wait3A = arith.constant 316 : i32
    %dma_wait3A_50 = arith.constant 0 : i32
    %dma_wait3A_51 = arith.constant 0 : i32
    %dma_wait3A_52 = tpu.memref_slice %arg7[%dma_wait3A_50, %dma_wait3A_51] : memref<320x128xf32, #tpu.memory_space<vmem>> -> memref<80x128xf32, #tpu.memory_space<vmem>>
    %dma_wait3A_53 = arith.constant 0 : i32
    %dma_wait3A_54 = tpu.memref_slice %arg5[%dma_wait3A, %dma_wait3A_53] : memref<320x80xi32, #tpu.memory_space<vmem>> -> memref<1x80xi32, #tpu.memory_space<vmem>>
    %dma_wait3A_55 = tpu.memref_squeeze %dma_wait3A_54 : memref<1x80xi32, #tpu.memory_space<vmem>> -> memref<80xi32, #tpu.memory_space<vmem>>
    %dma_wait3A_56 = arith.constant 0 : i32
    %dma_wait3A_57 = arith.constant 0 : i32
    %dma_wait3A_58 = tpu.memref_slice %arg3[%dma_wait3A_56, %dma_wait3A_57] : memref<1000000x128xf32, #tpu.memory_space<hbm>> -> memref<1000000x128xf32, #tpu.memory_space<hbm>>
    tpu.wait_indirect_dma semaphore(%arg9 : memref<!tpu.dma_semaphore, #tpu.memory_space<semaphore_mem>>) src(%dma_wait3A_58 : memref<1000000x128xf32, #tpu.memory_space<hbm>>) dst(%dma_wait3A_52 : memref<80x128xf32, #tpu.memory_space<vmem>>)
    %dma_wait3A_59 = arith.constant 317 : i32
    %dma_wait3A_60 = arith.constant 80 : i32
    %dma_wait3A_61 = arith.constant 0 : i32
    %dma_wait3A_62 = tpu.memref_slice %arg7[%dma_wait3A_60, %dma_wait3A_61] : memref<320x128xf32, #tpu.memory_space<vmem>> -> memref<80x128xf32, #tpu.memory_space<vmem>>
    %dma_wait3A_63 = arith.constant 0 : i32
    %dma_wait3A_64 = tpu.memref_slice %arg5[%dma_wait3A_59, %dma_wait3A_63] : memref<320x80xi32, #tpu.memory_space<vmem>> -> memref<1x80xi32, #tpu.memory_space<vmem>>
    %dma_wait3A_65 = tpu.memref_squeeze %dma_wait3A_64 : memref<1x80xi32, #tpu.memory_space<vmem>> -> memref<80xi32, #tpu.memory_space<vmem>>
    %dma_wait3A_66 = arith.constant 0 : i32
    %dma_wait3A_67 = arith.constant 0 : i32
    %dma_wait3A_68 = tpu.memref_slice %arg3[%dma_wait3A_66, %dma_wait3A_67] : memref<1000000x128xf32, #tpu.memory_space<hbm>> -> memref<1000000x128xf32, #tpu.memory_space<hbm>>
    tpu.wait_indirect_dma semaphore(%arg9 : memref<!tpu.dma_semaphore, #tpu.memory_space<semaphore_mem>>) src(%dma_wait3A_68 : memref<1000000x128xf32, #tpu.memory_space<hbm>>) dst(%dma_wait3A_62 : memref<80x128xf32, #tpu.memory_space<vmem>>)
    %dma_wait3A_69 = arith.constant 318 : i32
    %dma_wait3A_70 = arith.constant 160 : i32
    %dma_wait3A_71 = arith.constant 0 : i32
    %dma_wait3A_72 = tpu.memref_slice %arg7[%dma_wait3A_70, %dma_wait3A_71] : memref<320x128xf32, #tpu.memory_space<vmem>> -> memref<80x128xf32, #tpu.memory_space<vmem>>
    %dma_wait3A_73 = arith.constant 0 : i32
    %dma_wait3A_74 = tpu.memref_slice %arg5[%dma_wait3A_69, %dma_wait3A_73] : memref<320x80xi32, #tpu.memory_space<vmem>> -> memref<1x80xi32, #tpu.memory_space<vmem>>
    %dma_wait3A_75 = tpu.memref_squeeze %dma_wait3A_74 : memref<1x80xi32, #tpu.memory_space<vmem>> -> memref<80xi32, #tpu.memory_space<vmem>>
    %dma_wait3A_76 = arith.constant 0 : i32
    %dma_wait3A_77 = arith.constant 0 : i32
    %dma_wait3A_78 = tpu.memref_slice %arg3[%dma_wait3A_76, %dma_wait3A_77] : memref<1000000x128xf32, #tpu.memory_space<hbm>> -> memref<1000000x128xf32, #tpu.memory_space<hbm>>
    tpu.wait_indirect_dma semaphore(%arg9 : memref<!tpu.dma_semaphore, #tpu.memory_space<semaphore_mem>>) src(%dma_wait3A_78 : memref<1000000x128xf32, #tpu.memory_space<hbm>>) dst(%dma_wait3A_72 : memref<80x128xf32, #tpu.memory_space<vmem>>)
    %dma_wait3A_79 = arith.constant 319 : i32
    %dma_wait3A_80 = arith.constant 240 : i32
    %dma_wait3A_81 = arith.constant 0 : i32
    %dma_wait3A_82 = tpu.memref_slice %arg7[%dma_wait3A_80, %dma_wait3A_81] : memref<320x128xf32, #tpu.memory_space<vmem>> -> memref<80x128xf32, #tpu.memory_space<vmem>>
    %dma_wait3A_83 = arith.constant 0 : i32
    %dma_wait3A_84 = tpu.memref_slice %arg5[%dma_wait3A_79, %dma_wait3A_83] : memref<320x80xi32, #tpu.memory_space<vmem>> -> memref<1x80xi32, #tpu.memory_space<vmem>>
    %dma_wait3A_85 = tpu.memref_squeeze %dma_wait3A_84 : memref<1x80xi32, #tpu.memory_space<vmem>> -> memref<80xi32, #tpu.memory_space<vmem>>
    %dma_wait3A_86 = arith.constant 0 : i32
    %dma_wait3A_87 = arith.constant 0 : i32
    %dma_wait3A_88 = tpu.memref_slice %arg3[%dma_wait3A_86, %dma_wait3A_87] : memref<1000000x128xf32, #tpu.memory_space<hbm>> -> memref<1000000x128xf32, #tpu.memory_space<hbm>>
    tpu.wait_indirect_dma semaphore(%arg9 : memref<!tpu.dma_semaphore, #tpu.memory_space<semaphore_mem>>) src(%dma_wait3A_88 : memref<1000000x128xf32, #tpu.memory_space<hbm>>) dst(%dma_wait3A_82 : memref<80x128xf32, #tpu.memory_space<vmem>>)
    %add3A_89 = arith.constant 25280 : i32
    %add3A_90 = arith.addi %mul3A_2, %add3A_89 : i32
    %dma_start3A_91 = arith.constant 0 : i32
    %dma_start3A_92 = arith.constant 0 : i32
    %dma_start3A_93 = tpu.memref_slice %arg7[%dma_start3A_91, %dma_start3A_92] : memref<320x128xf32, #tpu.memory_space<vmem>> -> memref<80x128xf32, #tpu.memory_space<vmem>>
    %dma_start3A_94 = arith.constant 0 : i32
    %dma_start3A_95 = tpu.memref_slice %arg4[%add3A_90, %dma_start3A_94] : memref<819200x128xf32, #tpu.memory_space<hbm>> -> memref<80x128xf32, #tpu.memory_space<hbm>>
    %dma_start3A_96 = arith.constant 0 : i32
    %dma_start3A_97 = tpu.memref_slice %arg4[%add3A_90, %dma_start3A_96] : memref<819200x128xf32, #tpu.memory_space<hbm>> -> memref<80x128xf32, #tpu.memory_space<hbm>>
    %dma_start3A_98 = arith.constant 0 : i32
    %dma_start3A_99 = arith.constant 0 : i32
    %dma_start3A_100 = tpu.memref_slice %arg7[%dma_start3A_98, %dma_start3A_99] : memref<320x128xf32, #tpu.memory_space<vmem>> -> memref<80x128xf32, #tpu.memory_space<vmem>>
    tpu.enqueue_dma source(%dma_start3A_100 : memref<80x128xf32, #tpu.memory_space<vmem>>) target(%dma_start3A_97 : memref<80x128xf32, #tpu.memory_space<hbm>>) target_semaphore(%arg11 : memref<!tpu.dma_semaphore, #tpu.memory_space<semaphore_mem>>)
    %add3A_101 = arith.constant 25360 : i32
    %add3A_102 = arith.addi %mul3A_2, %add3A_101 : i32
    %dma_start3A_103 = arith.constant 80 : i32
    %dma_start3A_104 = arith.constant 0 : i32
    %dma_start3A_105 = tpu.memref_slice %arg7[%dma_start3A_103, %dma_start3A_104] : memref<320x128xf32, #tpu.memory_space<vmem>> -> memref<80x128xf32, #tpu.memory_space<vmem>>
    %dma_start3A_106 = arith.constant 0 : i32
    %dma_start3A_107 = tpu.memref_slice %arg4[%add3A_102, %dma_start3A_106] : memref<819200x128xf32, #tpu.memory_space<hbm>> -> memref<80x128xf32, #tpu.memory_space<hbm>>
    %dma_start3A_108 = arith.constant 0 : i32
    %dma_start3A_109 = tpu.memref_slice %arg4[%add3A_102, %dma_start3A_108] : memref<819200x128xf32, #tpu.memory_space<hbm>> -> memref<80x128xf32, #tpu.memory_space<hbm>>
    %dma_start3A_110 = arith.constant 80 : i32
    %dma_start3A_111 = arith.constant 0 : i32
    %dma_start3A_112 = tpu.memref_slice %arg7[%dma_start3A_110, %dma_start3A_111] : memref<320x128xf32, #tpu.memory_space<vmem>> -> memref<80x128xf32, #tpu.memory_space<vmem>>
    tpu.enqueue_dma source(%dma_start3A_112 : memref<80x128xf32, #tpu.memory_space<vmem>>) target(%dma_start3A_109 : memref<80x128xf32, #tpu.memory_space<hbm>>) target_semaphore(%arg11 : memref<!tpu.dma_semaphore, #tpu.memory_space<semaphore_mem>>)
    %add3A_113 = arith.constant 25440 : i32
    %add3A_114 = arith.addi %mul3A_2, %add3A_113 : i32
    %dma_start3A_115 = arith.constant 160 : i32
    %dma_start3A_116 = arith.constant 0 : i32
    %dma_start3A_117 = tpu.memref_slice %arg7[%dma_start3A_115, %dma_start3A_116] : memref<320x128xf32, #tpu.memory_space<vmem>> -> memref<80x128xf32, #tpu.memory_space<vmem>>
    %dma_start3A_118 = arith.constant 0 : i32
    %dma_start3A_119 = tpu.memref_slice %arg4[%add3A_114, %dma_start3A_118] : memref<819200x128xf32, #tpu.memory_space<hbm>> -> memref<80x128xf32, #tpu.memory_space<hbm>>
    %dma_start3A_120 = arith.constant 0 : i32
    %dma_start3A_121 = tpu.memref_slice %arg4[%add3A_114, %dma_start3A_120] : memref<819200x128xf32, #tpu.memory_space<hbm>> -> memref<80x128xf32, #tpu.memory_space<hbm>>
    %dma_start3A_122 = arith.constant 160 : i32
    %dma_start3A_123 = arith.constant 0 : i32
    %dma_start3A_124 = tpu.memref_slice %arg7[%dma_start3A_122, %dma_start3A_123] : memref<320x128xf32, #tpu.memory_space<vmem>> -> memref<80x128xf32, #tpu.memory_space<vmem>>
    tpu.enqueue_dma source(%dma_start3A_124 : memref<80x128xf32, #tpu.memory_space<vmem>>) target(%dma_start3A_121 : memref<80x128xf32, #tpu.memory_space<hbm>>) target_semaphore(%arg11 : memref<!tpu.dma_semaphore, #tpu.memory_space<semaphore_mem>>)
    %add3A_125 = arith.constant 25520 : i32
    %add3A_126 = arith.addi %mul3A_2, %add3A_125 : i32
    %dma_start3A_127 = arith.constant 240 : i32
    %dma_start3A_128 = arith.constant 0 : i32
    %dma_start3A_129 = tpu.memref_slice %arg7[%dma_start3A_127, %dma_start3A_128] : memref<320x128xf32, #tpu.memory_space<vmem>> -> memref<80x128xf32, #tpu.memory_space<vmem>>
    %dma_start3A_130 = arith.constant 0 : i32
    %dma_start3A_131 = tpu.memref_slice %arg4[%add3A_126, %dma_start3A_130] : memref<819200x128xf32, #tpu.memory_space<hbm>> -> memref<80x128xf32, #tpu.memory_space<hbm>>
    %dma_start3A_132 = arith.constant 0 : i32
    %dma_start3A_133 = tpu.memref_slice %arg4[%add3A_126, %dma_start3A_132] : memref<819200x128xf32, #tpu.memory_space<hbm>> -> memref<80x128xf32, #tpu.memory_space<hbm>>
    %dma_start3A_134 = arith.constant 240 : i32
    %dma_start3A_135 = arith.constant 0 : i32
    %dma_start3A_136 = tpu.memref_slice %arg7[%dma_start3A_134, %dma_start3A_135] : memref<320x128xf32, #tpu.memory_space<vmem>> -> memref<80x128xf32, #tpu.memory_space<vmem>>
    tpu.enqueue_dma source(%dma_start3A_136 : memref<80x128xf32, #tpu.memory_space<vmem>>) target(%dma_start3A_133 : memref<80x128xf32, #tpu.memory_space<hbm>>) target_semaphore(%arg11 : memref<!tpu.dma_semaphore, #tpu.memory_space<semaphore_mem>>)
    %dma_wait3A_137 = arith.constant 0 : i32
    %dma_wait3A_138 = arith.constant 0 : i32
    %dma_wait3A_139 = tpu.memref_slice %arg6[%dma_wait3A_137, %dma_wait3A_138] : memref<320x128xf32, #tpu.memory_space<vmem>> -> memref<80x128xf32, #tpu.memory_space<vmem>>
    %dma_wait3A_140 = arith.constant 0 : i32
    %dma_wait3A_141 = arith.constant 0 : i32
    %dma_wait3A_142 = tpu.memref_slice %arg4[%dma_wait3A_140, %dma_wait3A_141] : memref<819200x128xf32, #tpu.memory_space<hbm>> -> memref<80x128xf32, #tpu.memory_space<hbm>>
    %dma_wait3A_143 = arith.constant 0 : i32
    %dma_wait3A_144 = arith.constant 0 : i32
    %dma_wait3A_145 = tpu.memref_slice %arg4[%dma_wait3A_143, %dma_wait3A_144] : memref<819200x128xf32, #tpu.memory_space<hbm>> -> memref<80x128xf32, #tpu.memory_space<hbm>>
    %dma_wait3A_146 = arith.constant 0 : i32
    %dma_wait3A_147 = arith.constant 0 : i32
    %dma_wait3A_148 = tpu.memref_slice %arg6[%dma_wait3A_146, %dma_wait3A_147] : memref<320x128xf32, #tpu.memory_space<vmem>> -> memref<80x128xf32, #tpu.memory_space<vmem>>
    tpu.wait_dma2 semaphore(%arg10 : memref<!tpu.dma_semaphore, #tpu.memory_space<semaphore_mem>>) src(%dma_wait3A_148 : memref<80x128xf32, #tpu.memory_space<vmem>>) dst(%dma_wait3A_145 : memref<80x128xf32, #tpu.memory_space<hbm>>)
    %dma_wait3A_149 = arith.constant 80 : i32
    %dma_wait3A_150 = arith.constant 0 : i32
    %dma_wait3A_151 = tpu.memref_slice %arg6[%dma_wait3A_149, %dma_wait3A_150] : memref<320x128xf32, #tpu.memory_space<vmem>> -> memref<80x128xf32, #tpu.memory_space<vmem>>
    %dma_wait3A_152 = arith.constant 80 : i32
    %dma_wait3A_153 = arith.constant 0 : i32
    %dma_wait3A_154 = tpu.memref_slice %arg4[%dma_wait3A_152, %dma_wait3A_153] : memref<819200x128xf32, #tpu.memory_space<hbm>> -> memref<80x128xf32, #tpu.memory_space<hbm>>
    %dma_wait3A_155 = arith.constant 80 : i32
    %dma_wait3A_156 = arith.constant 0 : i32
    %dma_wait3A_157 = tpu.memref_slice %arg4[%dma_wait3A_155, %dma_wait3A_156] : memref<819200x128xf32, #tpu.memory_space<hbm>> -> memref<80x128xf32, #tpu.memory_space<hbm>>
    %dma_wait3A_158 = arith.constant 80 : i32
    %dma_wait3A_159 = arith.constant 0 : i32
    %dma_wait3A_160 = tpu.memref_slice %arg6[%dma_wait3A_158, %dma_wait3A_159] : memref<320x128xf32, #tpu.memory_space<vmem>> -> memref<80x128xf32, #tpu.memory_space<vmem>>
    tpu.wait_dma2 semaphore(%arg10 : memref<!tpu.dma_semaphore, #tpu.memory_space<semaphore_mem>>) src(%dma_wait3A_160 : memref<80x128xf32, #tpu.memory_space<vmem>>) dst(%dma_wait3A_157 : memref<80x128xf32, #tpu.memory_space<hbm>>)
    %dma_wait3A_161 = arith.constant 160 : i32
    %dma_wait3A_162 = arith.constant 0 : i32
    %dma_wait3A_163 = tpu.memref_slice %arg6[%dma_wait3A_161, %dma_wait3A_162] : memref<320x128xf32, #tpu.memory_space<vmem>> -> memref<80x128xf32, #tpu.memory_space<vmem>>
    %dma_wait3A_164 = arith.constant 160 : i32
    %dma_wait3A_165 = arith.constant 0 : i32
    %dma_wait3A_166 = tpu.memref_slice %arg4[%dma_wait3A_164, %dma_wait3A_165] : memref<819200x128xf32, #tpu.memory_space<hbm>> -> memref<80x128xf32, #tpu.memory_space<hbm>>
    %dma_wait3A_167 = arith.constant 160 : i32
    %dma_wait3A_168 = arith.constant 0 : i32
    %dma_wait3A_169 = tpu.memref_slice %arg4[%dma_wait3A_167, %dma_wait3A_168] : memref<819200x128xf32, #tpu.memory_space<hbm>> -> memref<80x128xf32, #tpu.memory_space<hbm>>
    %dma_wait3A_170 = arith.constant 160 : i32
    %dma_wait3A_171 = arith.constant 0 : i32
    %dma_wait3A_172 = tpu.memref_slice %arg6[%dma_wait3A_170, %dma_wait3A_171] : memref<320x128xf32, #tpu.memory_space<vmem>> -> memref<80x128xf32, #tpu.memory_space<vmem>>
    tpu.wait_dma2 semaphore(%arg10 : memref<!tpu.dma_semaphore, #tpu.memory_space<semaphore_mem>>) src(%dma_wait3A_172 : memref<80x128xf32, #tpu.memory_space<vmem>>) dst(%dma_wait3A_169 : memref<80x128xf32, #tpu.memory_space<hbm>>)
    %dma_wait3A_173 = arith.constant 240 : i32
    %dma_wait3A_174 = arith.constant 0 : i32
    %dma_wait3A_175 = tpu.memref_slice %arg6[%dma_wait3A_173, %dma_wait3A_174] : memref<320x128xf32, #tpu.memory_space<vmem>> -> memref<80x128xf32, #tpu.memory_space<vmem>>
    %dma_wait3A_176 = arith.constant 240 : i32
    %dma_wait3A_177 = arith.constant 0 : i32
    %dma_wait3A_178 = tpu.memref_slice %arg4[%dma_wait3A_176, %dma_wait3A_177] : memref<819200x128xf32, #tpu.memory_space<hbm>> -> memref<80x128xf32, #tpu.memory_space<hbm>>
    %dma_wait3A_179 = arith.constant 240 : i32
    %dma_wait3A_180 = arith.constant 0 : i32
    %dma_wait3A_181 = tpu.memref_slice %arg4[%dma_wait3A_179, %dma_wait3A_180] : memref<819200x128xf32, #tpu.memory_space<hbm>> -> memref<80x128xf32, #tpu.memory_space<hbm>>
    %dma_wait3A_182 = arith.constant 240 : i32
    %dma_wait3A_183 = arith.constant 0 : i32
    %dma_wait3A_184 = tpu.memref_slice %arg6[%dma_wait3A_182, %dma_wait3A_183] : memref<320x128xf32, #tpu.memory_space<vmem>> -> memref<80x128xf32, #tpu.memory_space<vmem>>
    tpu.wait_dma2 semaphore(%arg10 : memref<!tpu.dma_semaphore, #tpu.memory_space<semaphore_mem>>) src(%dma_wait3A_184 : memref<80x128xf32, #tpu.memory_space<vmem>>) dst(%dma_wait3A_181 : memref<80x128xf32, #tpu.memory_space<hbm>>)
    %dma_wait3A_185 = arith.constant 0 : i32
    %dma_wait3A_186 = arith.constant 0 : i32
    %dma_wait3A_187 = tpu.memref_slice %arg7[%dma_wait3A_185, %dma_wait3A_186] : memref<320x128xf32, #tpu.memory_space<vmem>> -> memref<80x128xf32, #tpu.memory_space<vmem>>
    %dma_wait3A_188 = arith.constant 0 : i32
    %dma_wait3A_189 = arith.constant 0 : i32
    %dma_wait3A_190 = tpu.memref_slice %arg4[%dma_wait3A_188, %dma_wait3A_189] : memref<819200x128xf32, #tpu.memory_space<hbm>> -> memref<80x128xf32, #tpu.memory_space<hbm>>
    %dma_wait3A_191 = arith.constant 0 : i32
    %dma_wait3A_192 = arith.constant 0 : i32
    %dma_wait3A_193 = tpu.memref_slice %arg4[%dma_wait3A_191, %dma_wait3A_192] : memref<819200x128xf32, #tpu.memory_space<hbm>> -> memref<80x128xf32, #tpu.memory_space<hbm>>
    %dma_wait3A_194 = arith.constant 0 : i32
    %dma_wait3A_195 = arith.constant 0 : i32
    %dma_wait3A_196 = tpu.memref_slice %arg7[%dma_wait3A_194, %dma_wait3A_195] : memref<320x128xf32, #tpu.memory_space<vmem>> -> memref<80x128xf32, #tpu.memory_space<vmem>>
    tpu.wait_dma2 semaphore(%arg11 : memref<!tpu.dma_semaphore, #tpu.memory_space<semaphore_mem>>) src(%dma_wait3A_196 : memref<80x128xf32, #tpu.memory_space<vmem>>) dst(%dma_wait3A_193 : memref<80x128xf32, #tpu.memory_space<hbm>>)
    %dma_wait3A_197 = arith.constant 80 : i32
    %dma_wait3A_198 = arith.constant 0 : i32
    %dma_wait3A_199 = tpu.memref_slice %arg7[%dma_wait3A_197, %dma_wait3A_198] : memref<320x128xf32, #tpu.memory_space<vmem>> -> memref<80x128xf32, #tpu.memory_space<vmem>>
    %dma_wait3A_200 = arith.constant 80 : i32
    %dma_wait3A_201 = arith.constant 0 : i32
    %dma_wait3A_202 = tpu.memref_slice %arg4[%dma_wait3A_200, %dma_wait3A_201] : memref<819200x128xf32, #tpu.memory_space<hbm>> -> memref<80x128xf32, #tpu.memory_space<hbm>>
    %dma_wait3A_203 = arith.constant 80 : i32
    %dma_wait3A_204 = arith.constant 0 : i32
    %dma_wait3A_205 = tpu.memref_slice %arg4[%dma_wait3A_203, %dma_wait3A_204] : memref<819200x128xf32, #tpu.memory_space<hbm>> -> memref<80x128xf32, #tpu.memory_space<hbm>>
    %dma_wait3A_206 = arith.constant 80 : i32
    %dma_wait3A_207 = arith.constant 0 : i32
    %dma_wait3A_208 = tpu.memref_slice %arg7[%dma_wait3A_206, %dma_wait3A_207] : memref<320x128xf32, #tpu.memory_space<vmem>> -> memref<80x128xf32, #tpu.memory_space<vmem>>
    tpu.wait_dma2 semaphore(%arg11 : memref<!tpu.dma_semaphore, #tpu.memory_space<semaphore_mem>>) src(%dma_wait3A_208 : memref<80x128xf32, #tpu.memory_space<vmem>>) dst(%dma_wait3A_205 : memref<80x128xf32, #tpu.memory_space<hbm>>)
    %dma_wait3A_209 = arith.constant 160 : i32
    %dma_wait3A_210 = arith.constant 0 : i32
    %dma_wait3A_211 = tpu.memref_slice %arg7[%dma_wait3A_209, %dma_wait3A_210] : memref<320x128xf32, #tpu.memory_space<vmem>> -> memref<80x128xf32, #tpu.memory_space<vmem>>
    %dma_wait3A_212 = arith.constant 160 : i32
    %dma_wait3A_213 = arith.constant 0 : i32
    %dma_wait3A_214 = tpu.memref_slice %arg4[%dma_wait3A_212, %dma_wait3A_213] : memref<819200x128xf32, #tpu.memory_space<hbm>> -> memref<80x128xf32, #tpu.memory_space<hbm>>
    %dma_wait3A_215 = arith.constant 160 : i32
    %dma_wait3A_216 = arith.constant 0 : i32
    %dma_wait3A_217 = tpu.memref_slice %arg4[%dma_wait3A_215, %dma_wait3A_216] : memref<819200x128xf32, #tpu.memory_space<hbm>> -> memref<80x128xf32, #tpu.memory_space<hbm>>
    %dma_wait3A_218 = arith.constant 160 : i32
    %dma_wait3A_219 = arith.constant 0 : i32
    %dma_wait3A_220 = tpu.memref_slice %arg7[%dma_wait3A_218, %dma_wait3A_219] : memref<320x128xf32, #tpu.memory_space<vmem>> -> memref<80x128xf32, #tpu.memory_space<vmem>>
    tpu.wait_dma2 semaphore(%arg11 : memref<!tpu.dma_semaphore, #tpu.memory_space<semaphore_mem>>) src(%dma_wait3A_220 : memref<80x128xf32, #tpu.memory_space<vmem>>) dst(%dma_wait3A_217 : memref<80x128xf32, #tpu.memory_space<hbm>>)
    %dma_wait3A_221 = arith.constant 240 : i32
    %dma_wait3A_222 = arith.constant 0 : i32
    %dma_wait3A_223 = tpu.memref_slice %arg7[%dma_wait3A_221, %dma_wait3A_222] : memref<320x128xf32, #tpu.memory_space<vmem>> -> memref<80x128xf32, #tpu.memory_space<vmem>>
    %dma_wait3A_224 = arith.constant 240 : i32
    %dma_wait3A_225 = arith.constant 0 : i32
    %dma_wait3A_226 = tpu.memref_slice %arg4[%dma_wait3A_224, %dma_wait3A_225] : memref<819200x128xf32, #tpu.memory_space<hbm>> -> memref<80x128xf32, #tpu.memory_space<hbm>>
    %dma_wait3A_227 = arith.constant 240 : i32
    %dma_wait3A_228 = arith.constant 0 : i32
    %dma_wait3A_229 = tpu.memref_slice %arg4[%dma_wait3A_227, %dma_wait3A_228] : memref<819200x128xf32, #tpu.memory_space<hbm>> -> memref<80x128xf32, #tpu.memory_space<hbm>>
    %dma_wait3A_230 = arith.constant 240 : i32
    %dma_wait3A_231 = arith.constant 0 : i32
    %dma_wait3A_232 = tpu.memref_slice %arg7[%dma_wait3A_230, %dma_wait3A_231] : memref<320x128xf32, #tpu.memory_space<vmem>> -> memref<80x128xf32, #tpu.memory_space<vmem>>
    tpu.wait_dma2 semaphore(%arg11 : memref<!tpu.dma_semaphore, #tpu.memory_space<semaphore_mem>>) src(%dma_wait3A_232 : memref<80x128xf32, #tpu.memory_space<vmem>>) dst(%dma_wait3A_229 : memref<80x128xf32, #tpu.memory_space<hbm>>)
    return
  }
}

</mosaic_0001>

<sc_bundles>
// kernel: kernel.3.cloned.1.call-start
scs
__scs_entry_jumppad:
0x0: {  	(pc) =	sbr.rel $0x88, $3  }
0x1: {  	(tag) =	ssettag $0x0;
	lr =	simm.s32 $0x1  }
0x2: {  	[smem:$0x3F9F] =	sst lr;
	_ =	strace $0xD0000000  }
0x3: {  	_ = 	snop  }
0x4: {  	_ = 	snop  }
0x5: {  	_ = 	snop  }
0x6: {  	_ = 	snop  }
0x7: {  	_ = 	snop  }
__scs_overlays_trampoline_lowered:
0x8: {  	[smem:$0x3FAE] =	sst s0  }
0x9: {  	[smem:$0x3FAF] =	sst s1  }
0xa: {  	[smem:$0x3FB0] =	sst s2  }
0xb: {  	[smem:$0x3FB1] =	sst s3  }
0xc: {  	[smem:$0x3FB2] =	sst s4  }
0xd: {  	[smem:$0x3FB3] =	sst s5  }
0xe: {  	[smem:$0x3FB4] =	sst s6  }
0xf: {  	[smem:$0x3FB5] =	sst s7  }
0x10: {  	[smem:$0x3FB6] =	sst s8  }
0x11: {  	[smem:$0x3FB7] =	sst s9;
	s0 =	simm.s32 @!p0 $0x0  }
0x12: {  	s1 =	sld [smem:$0x3F9D];
	s0 =	simm.s32 @p0 $0x1  }
0x13: {  	[smem:$0x3FB8] =	sst s0;
	s0 =	simm.s32 @!p1 $0x0  }
0x14: {  	s2 =	sld [smem:$0x3F9C];
	s0 =	simm.s32 @p1 $0x1  }
0x15: {  	[smem:$0x3FB9] =	sst s0;
	s0 =	simm.s32 @!p2 $0x0  }
0x16: {  	s3 =	sld [smem:$0x3FDB];
	s0 =	simm.s32 @p2 $0x1  }
0x17: {  	s4 =	simm.s32 $0x1BF5;
	[smem:$0x3FBB] =	sst s0  }
0x18: {  	s0 =	sld [smem:$0x3F9E];
	_ =	swait.ge [sflag:s4], $0x0  }
0x19: {  	s7 =	sld [smem:$0x3F9F]  }
0x1a: {  	s8 =	sadd.s32 $0xFFFFE003, lr  }
0x1b: {  	s9 =	sadd.s32 $0xFFFFFEF7, lr;
	s5 =	simm.s32 $0xFFFFFFFF;
	p2 =	slt.u32 s8, $0xFFFFF086  }
0x1c: {  	p1 =	slt.u32 s9, $0xF7A;
	s5 =	simm.s32 @!p2 $0x0  }
0x1d: {  	s5 =	simm.s32 @p1 $0x1;
	p0 =	seq.s32 s7, s2  }
0x1e: {  	s7 =	smul.u32 @!p0 $0xF7A, s2;
	p2 =	seq.s32 @!p0 s5, $0x0  }
0x1f: {  	s9 =	smul.u32 $0xF7A, s1;
	s8 =	simm.s32 @!p0 $0x1BF5;
	p2 =	por !p2, p0  }
0x20: {  	[sflag:s8] =	ssyncset.s32 @!p0 $0xFFFFF086;
	s6 =	sadd.s32 @!p0 s3, s7;
	s7 =	simm.s32 @!p0 $0x108  }
0x21: {  	s3 =	sadd.s32 s3, s9;
	s6 =	sadd.s32 @!p0 $0x88, s6;
	s7 =	simm.s32 @p2 $0x1082  }
0x22: {  	[simem:s7], [sflag:s8] =	dma.local @!p0 [hbm:s6], $0xF7A  }
0x23: {  	s9 =	sor.u32 $0xD0000000, s2;
	s6 =	simm.s32 $0x108;
	_ =	swait.ge @!p0 [sflag:s8], $0x0  }
0x24: {  	s3 =	sadd.s32 $0x88, s3;
	s6 =	simm.s32 @!p1 $0x1082;
	[sflag:s4] =	ssyncset.s32 $0xFFFFF086  }
0x25: {  	[simem:s6], [sflag:s4] =	dma.local [hbm:s3], $0xF7A  }
0x26: {  	[smem:$0x3F9F] =	sst s1;
	(tag) =	ssettag s2;
	_ =	strace s9  }
0x27: {  	s1 =	sld [smem:$0x3FAF]  }
0x28: {  	s2 =	sld [smem:$0x3FB0]  }
0x29: {  	s4 =	sld [smem:$0x3FB2]  }
0x2a: {  	p0 =	seq.s32 s5, $0x0;
	s5 =	sld [smem:$0x3FB3]  }
0x2b: {  	s6 =	sld [smem:$0x3FB4]  }
0x2c: {  	s7 =	sld [smem:$0x3FB5]  }
0x2d: {  	s3 =	simm.s32 $0x108;
	s8 =	sld [smem:$0x3FB6]  }
0x2e: {  	s3 =	simm.s32 @!p0 $0x1082;
	s9 =	sld [smem:$0x3FB7]  }
0x2f: {  	lr =	sadd.s32 s0, s3;
	s0 =	sld [smem:$0x3FAE]  }
0x30: {  	s3 =	sld [smem:$0x3FB1]  }
0x31: {  	[smem:$0x3FBA] =	sst s10  }
0x32: {  	s10 =	sld [smem:$0x3FB8];
	_ =	sdelay $0x3  }
0x33: {  	p0 =	seq.s32 s10, $0x1;
	s10 =	sld [smem:$0x3FBA];
	_ =	sdelay $0x3  }
0x34: {  	[smem:$0x3FBA] =	sst s10  }
0x35: {  	s10 =	sld [smem:$0x3FB9];
	_ =	sdelay $0x3  }
0x36: {  	p1 =	seq.s32 s10, $0x1;
	s10 =	sld [smem:$0x3FBA];
	_ =	sdelay $0x3  }
0x37: {  	[smem:$0x3FBA] =	sst s10  }
0x38: {  	s10 =	sld [smem:$0x3FBB]  }
0x39: {  	_ = 	snop;
	(pc) =	sbr.ind lr, $3  }
0x3a: {  	_ = 	snop  }
0x3b: {  	_ = 	snop  }
0x3c: {  	p2 =	seq.s32 s10, $0x1;
	s10 =	sld [smem:$0x3FBA]  }
0x3d: {  	_ =	shalt  }
0x3e: {  	_ =	shalt  }
0x3f: {  	_ =	shalt  }
0x40: {  	_ =	shalt  }
0x41: {  	_ =	shalt  }
0x42: {  	_ =	shalt  }
0x43: {  	_ =	shalt  }
0x44: {  	_ =	shalt  }
0x45: {  	_ =	shalt  }
0x46: {  	_ =	shalt  }
0x47: {  	_ =	shalt  }
0x48: {  	_ =	shalt  }
0x49: {  	_ =	shalt  }
0x4a: {  	_ =	shalt  }
0x4b: {  	_ =	shalt  }
0x4c: {  	_ =	shalt  }
0x4d: {  	_ =	shalt  }
0x4e: {  	_ =	shalt  }
0x4f: {  	_ =	shalt  }
0x50: {  	_ =	shalt  }
0x51: {  	_ =	shalt  }
0x52: {  	_ =	shalt  }
0x53: {  	_ =	shalt  }
0x54: {  	_ =	shalt  }
0x55: {  	_ =	shalt  }
0x56: {  	_ =	shalt  }
0x57: {  	_ =	shalt  }
0x58: {  	_ =	shalt  }
0x59: {  	_ =	shalt  }
0x5a: {  	_ =	shalt  }
0x5b: {  	_ =	shalt  }
0x5c: {  	_ =	shalt  }
0x5d: {  	_ =	shalt  }
0x5e: {  	_ =	shalt  }
0x5f: {  	_ =	shalt  }
0x60: {  	_ =	shalt  }
0x61: {  	_ =	shalt  }
0x62: {  	_ =	shalt  }
0x63: {  	_ =	shalt  }
0x64: {  	_ =	shalt  }
0x65: {  	_ =	shalt  }
0x66: {  	_ =	shalt  }
0x67: {  	_ =	shalt  }
0x68: {  	_ =	shalt  }
0x69: {  	_ =	shalt  }
0x6a: {  	_ =	shalt  }
0x6b: {  	_ =	shalt  }
0x6c: {  	_ =	shalt  }
0x6d: {  	_ =	shalt  }
0x6e: {  	_ =	shalt  }
0x6f: {  	_ =	shalt  }
0x70: {  	_ =	shalt  }
0x71: {  	_ =	shalt  }
0x72: {  	_ =	shalt  }
0x73: {  	_ =	shalt  }
0x74: {  	_ =	shalt  }
0x75: {  	_ =	shalt  }
0x76: {  	_ =	shalt  }
0x77: {  	_ =	shalt  }
0x78: {  	_ =	shalt  }
0x79: {  	_ =	shalt  }
0x7a: {  	_ =	shalt  }
0x7b: {  	_ =	shalt  }
0x7c: {  	_ =	shalt  }
0x7d: {  	_ =	shalt  }
0x7e: {  	_ =	shalt  }
0x7f: {  	_ =	shalt  }
0x80: {  	_ =	shalt  }
0x81: {  	_ =	shalt  }
0x82: {  	_ =	shalt  }
0x83: {  	_ =	shalt  }
0x84: {  	_ =	shalt  }
0x85: {  	_ =	shalt  }
0x86: {  	_ =	shalt  }
0x87: {  	_ =	shalt  }
.Lfunc_end0:
.L_simem_size_0:
called_computation.1_lowered:
.L_overlay_start_0:
0x88: {  	s2 =	sld [smem:$0x3FD9]  }
0x89: {  	s3 =	sld [smem:$0x3FFE];
	_ =	sdelay $0x1  }
0x8a: {  	s1 =	srdreg.scid  }
0x8b: {  	s0 =	sand.u32 $0x1, s1  }
0x8c: {  	s17 =	sshll.u32 s0, $0xA;
	s2 =	sadd.s32 s3, s2  }
0x8d: {  	s2 =	sadd.s32 s2, s17  }
0x8e: {  	[smem:$0x3FC6] =	sst s2  }
0x8f: {  	_ = 	snop  }
0x90: {  	s2 =	sld [smem:$0x3FD0];
	(tm) =	ssettm $0x1  }
0x91: {  	s18 =	sld [smem:$0x3FFB];
	_ =	sdelay $0x3  }
0x92: {  	_ =	strace s18  }
0x93: {  	s3 =	sld [smem:$0x3FFC];
	_ =	sdelay $0x3  }
0x94: {  	_ =	strace s3  }
0x95: {  	s3 =	sld [smem:$0x3FFD];
	_ =	sdelay $0x3  }
0x96: {  	_ =	strace s3  }
0x97: {  	_ =	strace $0x8FFFFFFF  }
0x98: {  	s19 =	sld [smem:$0x3FDB];
	_ =	sdelay $0x1  }
0x99: {  	s4 =	simm.s32 $_scs_section_size  }
0x9a: {  	s5 =	simm.s32 $_size__tile_overlayer_lowered;
	s6 =	simm.s32 $_tile_overlayer_lowered  }
0x9b: {  	s22 =	simm.s32 $0x1BFF;
	s21 =	sshll.u32 s6, $0x1;
	s3 =	sadd.s32 s4, s19  }
0x9c: {  	s7 =	simm.s32 $0x0;
	s20 =	sshll.u32 s5, $0x1;
	s5 =	sadd.s32 s21, s3  }
0x9d: {  	[timem:s7], [sflag:s22] =	dma.local [hbm:s5], s20  }
0x9e: {  	_ =	swait.ge [sflag:s22], s20  }
0x9f: {  	s4 =	ssub.s32 $0x0, s20;
	[sflag:s22] =	ssyncset.done $0x0  }
0xa0: {  	[sflag:s22] =	ssyncadd.s32 s4;
	_ =	sdelay $0x1  }
0xa1: {  	s23 =	simm.s32 $0x1B8B  }
0xa2: {  	_ =	swait.ge [sflag:s23], $0x1  }
0xa3: {  	[sflag:s23] =	ssyncset.done $0x0  }
0xa4: {  	s25 =	simm.s32 $0x1B8E;
	s24 =	sld [smem:$0x3FFE];
	[sflag:s23] =	ssyncadd.s32 $0xFFFFFFFF  }
0xa5: {  	s26 =	simm.s32 $execute0_lowered;
	[smem:$0x3FD2] =	sst s25  }
0xa6: {  	s5 =	sshll.u32 s26, $0x1;
	_ =	strace $0x80000046;
	[dreg:$0x1] =	wrdreg $0xFFFFFFFF  }
0xa7: {  	s28 =	simm.s32 $_size_execute0_lowered;
	s3 =	sadd.s32 s3, s5;
	[dreg:$0x0] =	wrdreg $0x0  }
0xa8: {  	s5 =	sshll.u32 s28, $0x1;
	[dreg:$0x2] =	wrdreg s3  }
0xa9: {  	[dreg:$0x3] =	wrdreg s5  }
0xaa: {  	[dreg:$0x4] =	wrdreg $0xC0  }
0xab: {  	_ =	task [dreg:s7], $0x5FFFF  }
0xac: {  	[dreg:$0x1] =	wrdreg $0xFFFFFFFF  }
0xad: {  	[dreg:$0x0] =	wrdreg $0x60  }
0xae: {  	[dreg:$0x2] =	wrdreg s2  }
0xaf: {  	[dreg:$0x3] =	wrdreg s24  }
0xb0: {  	[dreg:$0x4] =	wrdreg $0x9  }
0xb1: {  	_ =	task.clear_ibuf [dreg:s7], $0x5FFFF;
	_ =	strace $0x90000046  }
0xb2: {  	s29 =	simm.s32 $0x9;
	_ =	strace $0x80000048  }
0xb3: {  	_ =	swait.ge [sflag:s29], $0x1  }
0xb4: {  	[sflag:s29] =	ssyncadd.s32 $0xFFFFFFFF  }
0xb5: {  	_ =	strace $0x90000048  }
0xb6: {  	_ =	sfence  }
0xb7: {  	s30 =	sld [smem:$0x0];
	_ =	sdelay $0x2  }
0xb8: {  	s31 =	sshll.u32 s1, $0xD;
	s1 =	sshrl.u32 s1, $0x2  }
0xb9: {  	s3 =	sand.u32 $0x4000, s31;
	s1 =	sadd.s32 s1, s30  }
0xba: {  	s0 =	sor.u32 s3, s0;
	s1 =	sshll.u32 s1, $0x11  }
0xbb: {  	s0 =	sor.u32 s1, s0  }
0xbc: {  	s0 =	sadd.s32 $0x8F2B, s0  }
0xbd: {  	[sflag:s0] =	ssyncadd.remote.s32 $0x1  }
0xbe: {  	_ =	sfence.sel $0xFFFF  }
0xbf: {  	[dreg:$0x0] =	wrdreg $0xFFFFFFFF;
	(pc) =	sbr.abs _section_cstart, $3  }
0xc0: {  	[dreg:$0x1] =	wrdreg $0xFFFFFFFF  }
0xc1: {  	_ =	task.clear_ibuf [dreg:s7], $0x2FFFF;
	_ =	strace $0x9FFFFFFF  }
0xc2: {  	(tm) =	ssettm $0x7FFFFFFF  }
0xc3: {  	_ =	shalt  }
tec
execute0_lowered:
.L_overlay_start_1:
0x0: {  	(tag) =	ssettag $0x1  }
0x1: {  	s0 =	rddreg [dreg:$0x0]  }
0x2: {  	s1 =	rddreg [dreg:$0x1];
	s2 =	simm.s32 $0x0;
	s3 =	srdreg.scid  }
0x3: {  	s10 =	stileid.u32;
	s13 =	simm.s32 $0x5;
	s14 =	simm.s32 $0x50  }
0x4: {  	s15 =	simm.s32 $0xA000;
	s28 =	simm.s32 $0x2;
	s29 =	simm.s32 $0x3  }
0x5: {  	s30 =	simm.s32 $0x4;
	s31 =	simm.s32 $0x0;
	[smem:$0x7FF] =	sst s2  }
0x6: {  	s6 =	sand.u32 $0x1, s3;
	s16 =	sshll.u32 s10, $0x1;
	s21 =	smul.u32 $0xC8000, s10  }
0x7: {  	s7 =	sor.u32 s6, s16;
	s8 =	ssub.s32 $0x2, s6;
	s6 =	smul.u32 $0x64000, s6  }
0x8: {  	s3 =	sadd.s32 $0xF42E00, s1;
	s5 =	sadd.s32 $0xA00, s1;
	s9 =	smul.u32 $0x1400, s7  }
0x9: {  	_ =	strace $0x80000047;
	s4 =	smul.u32 $0x6400, s7;
	s17 =	sshrl.u32 s8, $0x1  }
0xa: {  	s7 =	smul.u32 $0x320000, s7;
	s1 =	ssub.s32 s8, s17;
	s0 =	sadd.s32 s0, s9  }
0xb: {  	s17 =	simm.s32 $0xC800;
	s18 =	sor.u32 $0x50, s4;
	[dreg:$0x6] =	wrdreg s0  }
0xc: {  	s19 =	sor.u32 $0xA0, s4;
	s20 =	sshrl.u32 s7, $0x3;
	[dreg:$0x3] =	wrdreg s18  }
0xd: {  	s22 =	sor.u32 $0xF0, s4;
	s7 =	sadd.s32 s21, s5;
	[dreg:$0x4] =	wrdreg s19  }
0xe: {  	s26 =	smax.u32 s1, $0x1;
	s0 =	sadd.s32 s5, s20;
	[dreg:$0x5] =	wrdreg s22  }
0xf: {  	s21 =	simm.s32 $0x11800;
	[dreg:$0xb] =	wrdreg s26;
	s23 =	sadd.s32 $0x62C00, s0  }
0x10: {  	s6 =	sadd.s32 s6, s7;
	s24 =	sadd.s32 $0x63100, s0;
	[dreg:$0x7] =	wrdreg s23  }
0x11: {  	s19 =	simm.s32 $0xF000;
	s25 =	sadd.s32 $0x63600, s0;
	[dreg:$0x8] =	wrdreg s24  }
0x12: {  	s22 =	simm.s32 $0x14000;
	s0 =	sadd.s32 $0x63B00, s0;
	[dreg:$0x9] =	wrdreg s25  }
0x13: {  	s26 =	simm.s32 $0x1;
	s18 =	sadd.s32 $0xFFFFF600, s6;
	[dreg:$0xa] =	wrdreg s0  }
0x14: {  	s23 =	simm.s32 $0x16800;
	s24 =	simm.s32 $0x19000;
	s25 =	simm.s32 $0x1B800  }
.LBB2_1:
0x15: {  	s0 =	rddreg [dreg:$0x6]  }
0x16: {  	[tilespmem:s2], [sflag:$0x5] =	stream.linear.gather [hbm4b:s0+s2], $0xA000, $0x38;
	[tilespmem:$0x1E000] =	vst v63  }
0x17: {  	_ =	swait.ge [sflag:s13], $0xA000  }
0x18: {  	[sflag:s13] =	ssyncset.done $0x0  }
0x19: {  	[sflag:s13] =	ssyncadd.s32 $0xFFFF6000  }
0x1a: {  	[tilespmem:s15], [sflag:$0x1] =	stream.indirect.gather [hbm4b:s3+s14], $0x80, s2, s14, $0xb8;
	[tilespmem:$0x1E000] =	vst v63  }
0x1b: {  	s11 =	simm.s32 $0x80  }
0x1c: {  	[tilespmem:s17], [sflag:$0x1] =	stream.indirect.gather [hbm4b:s3+s14], $0x80, s11, s14, $0xb8;
	[tilespmem:$0x1E000] =	vst v63  }
0x1d: {  	s12 =	simm.s32 $0x100;
	p0 =	por $0x1, $0x1  }
0x1e: {  	[tilespmem:s19], [sflag:$0x1] =	stream.indirect.gather [hbm4b:s3+s14], $0x80, s12, s14, $0xb8;
	[tilespmem:$0x1E000] =	vst v63  }
0x1f: {  	s16 =	simm.s32 $0x180;
	s0 =	simm.s32 @!p0 $0x3  }
0x20: {  	[tilespmem:s21], [sflag:$0x1] =	stream.indirect.gather [hbm4b:s3+s14], $0x80, s16, s14, $0xb8;
	[tilespmem:$0x1E000] =	vst v63  }
0x21: {  	_ =	swait.ge @!p0 [sflag:s0], $0x2800  }
0x22: {  	[sflag:s0] =	ssyncset.done @!p0 $0x0  }
0x23: {  	[sflag:s0] =	ssyncadd.s32 @!p0 $0xFFFFD800  }
0x24: {  	_ =	swait.ge @!p0 [sflag:s0], $0x2800  }
0x25: {  	[sflag:s0] =	ssyncset.done @!p0 $0x0  }
0x26: {  	[sflag:s0] =	ssyncadd.s32 @!p0 $0xFFFFD800  }
0x27: {  	_ =	swait.ge @!p0 [sflag:s0], $0x2800  }
0x28: {  	[sflag:s0] =	ssyncset.done @!p0 $0x0  }
0x29: {  	[sflag:s0] =	ssyncadd.s32 @!p0 $0xFFFFD800  }
0x2a: {  	_ =	swait.ge @!p0 [sflag:s0], $0x2800  }
0x2b: {  	s1 =	simm.s32 @!p0 $0xA000;
	[sflag:s0] =	ssyncset.done @!p0 $0x0  }
0x2c: {  	s6 =	simm.s32 @!p0 $0x50;
	[sflag:s0] =	ssyncadd.s32 @!p0 $0xFFFFD800;
	s0 =	simm.s32 @!p0 $0x0  }
0x2d: {  	[tilespmem:s1], [sflag:$0x1] =	stream.indirect.gather @!p0 [hbm4b:s3+s6], $0x80, s0, s6, $0xb8;
	[tilespmem:$0x1E000] =	vst v63  }
0x2e: {  	s0 =	simm.s32 @!p0 $0x80;
	s1 =	simm.s32 @!p0 $0xC800  }
0x2f: {  	[tilespmem:s1], [sflag:$0x1] =	stream.indirect.gather @!p0 [hbm4b:s3+s6], $0x80, s0, s6, $0xb8;
	[tilespmem:$0x1E000] =	vst v63  }
0x30: {  	s0 =	simm.s32 @!p0 $0x100;
	s1 =	simm.s32 @!p0 $0xF000  }
0x31: {  	[tilespmem:s1], [sflag:$0x1] =	stream.indirect.gather @!p0 [hbm4b:s3+s6], $0x80, s0, s6, $0xb8;
	[tilespmem:$0x1E000] =	vst v63  }
0x32: {  	s7 =	simm.s32 @!p0 $0x2;
	s0 =	simm.s32 @!p0 $0x180;
	s1 =	simm.s32 @!p0 $0x11800  }
0x33: {  	[tilespmem:s1], [sflag:$0x1] =	stream.indirect.gather @!p0 [hbm4b:s3+s6], $0x80, s0, s6, $0xb8;
	[tilespmem:$0x1E000] =	vst v63  }
0x34: {  	_ =	swait.ge @!p0 [sflag:s7], $0x2800  }
0x35: {  	[sflag:s7] =	ssyncset.done @!p0 $0x0  }
0x36: {  	[sflag:s7] =	ssyncadd.s32 @!p0 $0xFFFFD800  }
0x37: {  	_ =	swait.ge @!p0 [sflag:s7], $0x2800  }
0x38: {  	[sflag:s7] =	ssyncset.done @!p0 $0x0  }
0x39: {  	[sflag:s7] =	ssyncadd.s32 @!p0 $0xFFFFD800  }
0x3a: {  	_ =	swait.ge @!p0 [sflag:s7], $0x2800  }
0x3b: {  	[sflag:s7] =	ssyncset.done @!p0 $0x0  }
0x3c: {  	[sflag:s7] =	ssyncadd.s32 @!p0 $0xFFFFD800  }
0x3d: {  	_ =	swait.ge @!p0 [sflag:s7], $0x2800  }
0x3e: {  	s0 =	sadd.s32 @!p0 $0xFFFFF600, s18;
	[sflag:s7] =	ssyncset.done @!p0 $0x0  }
0x3f: {  	s1 =	simm.s32 @!p0 $0x0;
	s6 =	simm.s32 @!p0 $0x14000;
	[sflag:s7] =	ssyncadd.s32 @!p0 $0xFFFFD800  }
0x40: {  	[hbm4b:s0+s1] =	stream.linear.scatter @!p0 [tilespmem:s6], [sflag:$0x4], $0x2800, $0x38;
	[tilespmem:$0x1E000] =	vst v63  }
0x41: {  	s0 =	sadd.s32 @!p0 $0xFFFFFB00, s18;
	s6 =	simm.s32 @!p0 $0x16800  }
0x42: {  	[hbm4b:s0+s1] =	stream.linear.scatter @!p0 [tilespmem:s6], [sflag:$0x4], $0x2800, $0x38;
	[tilespmem:$0x1E000] =	vst v63  }
0x43: {  	s0 =	simm.s32 @!p0 $0x19000  }
0x44: {  	[hbm4b:s18+s1] =	stream.linear.scatter @!p0 [tilespmem:s0], [sflag:$0x4], $0x2800, $0x38;
	[tilespmem:$0x1E000] =	vst v63  }
0x45: {  	s7 =	simm.s32 @!p0 $0x4;
	s6 =	simm.s32 @!p0 $0x1B800;
	s0 =	sadd.s32 @!p0 $0x500, s18  }
0x46: {  	[hbm4b:s0+s1] =	stream.linear.scatter @!p0 [tilespmem:s6], [sflag:$0x4], $0x2800, $0x38;
	[tilespmem:$0x1E000] =	vst v63  }
0x47: {  	_ =	swait.ge @!p0 [sflag:s7], $0x2800  }
0x48: {  	[sflag:s7] =	ssyncset.done @!p0 $0x0  }
0x49: {  	[sflag:s7] =	ssyncadd.s32 @!p0 $0xFFFFD800  }
0x4a: {  	_ =	swait.ge @!p0 [sflag:s7], $0x2800  }
0x4b: {  	[sflag:s7] =	ssyncset.done @!p0 $0x0  }
0x4c: {  	[sflag:s7] =	ssyncadd.s32 @!p0 $0xFFFFD800  }
0x4d: {  	_ =	swait.ge @!p0 [sflag:s7], $0x2800  }
0x4e: {  	[sflag:s7] =	ssyncset.done @!p0 $0x0  }
0x4f: {  	s0 =	simm.s32 $0x0;
	[sflag:s7] =	ssyncadd.s32 @!p0 $0xFFFFD800  }
0x50: {  	s0 =	simm.s32 @p0 $0x0;
	_ =	swait.ge @!p0 [sflag:s7], $0x2800  }
0x51: {  	s6 =	sshra.s32 s0, $0x2;
	[sflag:s7] =	ssyncset.done @!p0 $0x0  }
0x52: {  	s12 =	smov.u32 s18;
	s0 =	sadd.s32 $0x200, s6;
	[sflag:s7] =	ssyncadd.s32 @!p0 $0xFFFFD800  }
0x53: {  	[tilespmem:s22], [sflag:$0x2] =	stream.indirect.gather [hbm4b:s3+s14], $0x80, s0, s14, $0xb8;
	[tilespmem:$0x1E000] =	vst v63  }
0x54: {  	s16 =	simm.s32 $0x1000;
	s1 =	simm.s32 $0x0;
	s20 =	sadd.s32 $0x280, s6  }
0x55: {  	[tilespmem:s23], [sflag:$0x2] =	stream.indirect.gather [hbm4b:s3+s14], $0x80, s20, s14, $0xb8;
	[tilespmem:$0x1E000] =	vst v63  }
0x56: {  	s7 =	sadd.s32 $0x300, s6;
	s0 =	simm.s32 $0x2000;
	s20 =	simm.s32 $0x3000  }
.LBB2_2:
0x57: {  	[tilespmem:s24], [sflag:$0x2] =	stream.indirect.gather [hbm4b:s3+s14], $0x80, s7, s14, $0xb8;
	[tilespmem:$0x1E000] =	vst v63  }
0x58: {  	s6 =	sadd.s32 $0x380, s6  }
0x59: {  	[tilespmem:s25], [sflag:$0x2] =	stream.indirect.gather [hbm4b:s3+s14], $0x80, s6, s14, $0xb8;
	[tilespmem:$0x1E000] =	vst v63  }
0x5a: {  	_ =	swait.ge [sflag:s26], $0x2800  }
0x5b: {  	[sflag:s26] =	ssyncset.done $0x0  }
0x5c: {  	[sflag:s26] =	ssyncadd.s32 $0xFFFFD800  }
0x5d: {  	_ =	swait.ge [sflag:s26], $0x2800  }
0x5e: {  	[sflag:s26] =	ssyncset.done $0x0  }
0x5f: {  	[sflag:s26] =	ssyncadd.s32 $0xFFFFD800  }
0x60: {  	s6 =	smov.u32 s1;
	_ =	swait.ge [sflag:s26], $0x2800  }
0x61: {  	s6 =	simm.s32 @p0 $0x0;
	[sflag:s26] =	ssyncset.done $0x0  }
0x62: {  	s8 =	sadd.s32 s4, s6;
	[sflag:s26] =	ssyncadd.s32 $0xFFFFD800  }
0x63: {  	s8 =	sshll.u32 s8, $0x4;
	_ =	swait.ge [sflag:s26], $0x2800  }
0x64: {  	s8 =	sadd.s32 s5, s8;
	[sflag:s26] =	ssyncset.done $0x0;
	s9 =	rddreg [dreg:$0x3]  }
0x65: {  	s10 =	rddreg [dreg:$0x4];
	[sflag:s26] =	ssyncadd.s32 $0xFFFFD800;
	s9 =	sadd.s32 s6, s9  }
0x66: {  	[hbm4b:s8+s2] =	stream.linear.scatter [tilespmem:s15], [sflag:$0x3], $0x2800, $0x38;
	[tilespmem:$0x1E000] =	vst v63  }
0x67: {  	s11 =	rddreg [dreg:$0x5];
	s10 =	sadd.s32 s6, s10;
	s8 =	sshll.u32 s9, $0x4  }
0x68: {  	s6 =	sadd.s32 s6, s11;
	s10 =	sshll.u32 s10, $0x4;
	s8 =	sadd.s32 s5, s8  }
0x69: {  	[hbm4b:s8+s2] =	stream.linear.scatter [tilespmem:s17], [sflag:$0x3], $0x2800, $0x38;
	[tilespmem:$0x1E000] =	vst v63  }
0x6a: {  	p0 =	seq.s32 s16, $0x0;
	s11 =	sshll.u32 s6, $0x4;
	s10 =	sadd.s32 s5, s10  }
0x6b: {  	[hbm4b:s10+s2] =	stream.linear.scatter [tilespmem:s19], [sflag:$0x3], $0x2800, $0x38;
	[tilespmem:$0x1E000] =	vst v63  }
0x6c: {  	s11 =	sadd.s32 s5, s11;
	s8 =	simm.s32 @!p0 $0x3  }
0x6d: {  	[hbm4b:s11+s2] =	stream.linear.scatter [tilespmem:s21], [sflag:$0x3], $0x2800, $0x38;
	[tilespmem:$0x1E000] =	vst v63  }
0x6e: {  	_ =	swait.ge @!p0 [sflag:s8], $0x2800  }
0x6f: {  	[sflag:s8] =	ssyncset.done @!p0 $0x0  }
0x70: {  	[sflag:s8] =	ssyncadd.s32 @!p0 $0xFFFFD800  }
0x71: {  	_ =	swait.ge @!p0 [sflag:s8], $0x2800  }
0x72: {  	[sflag:s8] =	ssyncset.done @!p0 $0x0  }
0x73: {  	[sflag:s8] =	ssyncadd.s32 @!p0 $0xFFFFD800  }
0x74: {  	_ =	swait.ge @!p0 [sflag:s8], $0x2800  }
0x75: {  	[sflag:s8] =	ssyncset.done @!p0 $0x0  }
0x76: {  	s9 =	smov.u32 s16;
	[sflag:s8] =	ssyncadd.s32 @!p0 $0xFFFFD800  }
0x77: {  	s9 =	simm.s32 @p0 $0x0;
	_ =	swait.ge @!p0 [sflag:s8], $0x2800  }
0x78: {  	s6 =	sshra.s32 s9, $0x2;
	s9 =	simm.s32 @!p0 $0xA000;
	[sflag:s8] =	ssyncset.done @!p0 $0x0  }
0x79: {  	s10 =	simm.s32 @!p0 $0x50;
	[sflag:s8] =	ssyncadd.s32 @!p0 $0xFFFFD800;
	s8 =	sshra.s32 @!p0 s16, $0x2  }
0x7a: {  	[tilespmem:s9], [sflag:$0x1] =	stream.indirect.gather @!p0 [hbm4b:s3+s10], $0x80, s8, s10, $0xb8;
	[tilespmem:$0x1E000] =	vst v63  }
0x7b: {  	s16 =	simm.s32 @!p0 $0xC800;
	s9 =	sadd.s32 @!p0 $0x80, s8  }
0x7c: {  	[tilespmem:s16], [sflag:$0x1] =	stream.indirect.gather @!p0 [hbm4b:s3+s10], $0x80, s9, s10, $0xb8;
	[tilespmem:$0x1E000] =	vst v63  }
0x7d: {  	s11 =	sadd.s32 @!p0 $0x100, s8;
	s9 =	simm.s32 @!p0 $0xF000  }
0x7e: {  	[tilespmem:s9], [sflag:$0x1] =	stream.indirect.gather @!p0 [hbm4b:s3+s10], $0x80, s11, s10, $0xb8;
	[tilespmem:$0x1E000] =	vst v63  }
0x7f: {  	s8 =	sadd.s32 @!p0 $0x180, s8;
	s9 =	simm.s32 @!p0 $0x11800;
	s11 =	simm.s32 @!p0 $0x2  }
0x80: {  	[tilespmem:s9], [sflag:$0x1] =	stream.indirect.gather @!p0 [hbm4b:s3+s10], $0x80, s8, s10, $0xb8;
	[tilespmem:$0x1E000] =	vst v63  }
0x81: {  	_ =	swait.ge @!p0 [sflag:s11], $0x2800  }
0x82: {  	[sflag:s11] =	ssyncset.done @!p0 $0x0  }
0x83: {  	[sflag:s11] =	ssyncadd.s32 @!p0 $0xFFFFD800  }
0x84: {  	_ =	swait.ge @!p0 [sflag:s11], $0x2800  }
0x85: {  	[sflag:s11] =	ssyncset.done @!p0 $0x0  }
0x86: {  	[sflag:s11] =	ssyncadd.s32 @!p0 $0xFFFFD800  }
0x87: {  	_ =	swait.ge @!p0 [sflag:s11], $0x2800  }
0x88: {  	[sflag:s11] =	ssyncset.done @!p0 $0x0  }
0x89: {  	s7 =	smov.u32 s20;
	[sflag:s11] =	ssyncadd.s32 @!p0 $0xFFFFD800  }
0x8a: {  	s12 =	sadd.s32 $0x2800, s12;
	s16 =	smov.u32 s0;
	_ =	swait.ge @!p0 [sflag:s11], $0x2800  }
0x8b: {  	s0 =	smov.u32 s7;
	s7 =	sadd.s32 @!p0 $0xFFFFF600, s12;
	[sflag:s11] =	ssyncset.done @!p0 $0x0  }
0x8c: {  	s8 =	simm.s32 @!p0 $0x0;
	s9 =	simm.s32 @!p0 $0x14000;
	[sflag:s11] =	ssyncadd.s32 @!p0 $0xFFFFD800  }
0x8d: {  	[hbm4b:s7+s8] =	stream.linear.scatter @!p0 [tilespmem:s9], [sflag:$0x4], $0x2800, $0x38;
	[tilespmem:$0x1E000] =	vst v63  }
0x8e: {  	s7 =	sadd.s32 @!p0 $0xFFFFFB00, s12;
	s9 =	simm.s32 @!p0 $0x16800  }
0x8f: {  	[hbm4b:s7+s8] =	stream.linear.scatter @!p0 [tilespmem:s9], [sflag:$0x4], $0x2800, $0x38;
	[tilespmem:$0x1E000] =	vst v63  }
0x90: {  	s7 =	simm.s32 @!p0 $0x19000  }
0x91: {  	[hbm4b:s12+s8] =	stream.linear.scatter @!p0 [tilespmem:s7], [sflag:$0x4], $0x2800, $0x38;
	[tilespmem:$0x1E000] =	vst v63  }
0x92: {  	s10 =	simm.s32 @!p0 $0x4;
	s9 =	simm.s32 @!p0 $0x1B800;
	s7 =	sadd.s32 @!p0 $0x500, s12  }
0x93: {  	[hbm4b:s7+s8] =	stream.linear.scatter @!p0 [tilespmem:s9], [sflag:$0x4], $0x2800, $0x38;
	[tilespmem:$0x1E000] =	vst v63  }
0x94: {  	_ =	swait.ge @!p0 [sflag:s10], $0x2800  }
0x95: {  	[sflag:s10] =	ssyncset.done @!p0 $0x0  }
0x96: {  	[sflag:s10] =	ssyncadd.s32 @!p0 $0xFFFFD800  }
0x97: {  	_ =	swait.ge @!p0 [sflag:s10], $0x2800  }
0x98: {  	[sflag:s10] =	ssyncset.done @!p0 $0x0  }
0x99: {  	[sflag:s10] =	ssyncadd.s32 @!p0 $0xFFFFD800  }
0x9a: {  	_ =	swait.ge @!p0 [sflag:s10], $0x2800  }
0x9b: {  	[sflag:s10] =	ssyncset.done @!p0 $0x0  }
0x9c: {  	s20 =	sadd.s32 $0x1000, s20;
	[sflag:s10] =	ssyncadd.s32 @!p0 $0xFFFFD800  }
0x9d: {  	p1 =	sne.s32 s20, $0x28000;
	_ =	swait.ge @!p0 [sflag:s10], $0x2800  }
.Ltmp0:
0x9e: {  	[sflag:s10] =	ssyncset.done @!p0 $0x0;
	(pc) =	sbr.rel @p1 .LBB2_2-.Ltmp0, $4  }
0x9f: {  	[sflag:s10] =	ssyncadd.s32 @!p0 $0xFFFFD800;
	s10 =	sadd.s32 $0x200, s6  }
0xa0: {  	[tilespmem:s22], [sflag:$0x2] =	stream.indirect.gather [hbm4b:s3+s14], $0x80, s10, s14, $0xb8;
	[tilespmem:$0x1E000] =	vst v63  }
0xa1: {  	s1 =	sadd.s32 $0x280, s1;
	s11 =	sadd.s32 $0x280, s6;
	s7 =	sadd.s32 $0x300, s6  }
0xa2: {  	[tilespmem:s23], [sflag:$0x2] =	stream.indirect.gather [hbm4b:s3+s14], $0x80, s11, s14, $0xb8;
	[tilespmem:$0x1E000] =	vst v63  }
0xa3: {  	[tilespmem:s24], [sflag:$0x2] =	stream.indirect.gather [hbm4b:s3+s14], $0x80, s7, s14, $0xb8;
	[tilespmem:$0x1E000] =	vst v63  }
0xa4: {  	s6 =	sadd.s32 $0x380, s6  }
0xa5: {  	[tilespmem:s25], [sflag:$0x2] =	stream.indirect.gather [hbm4b:s3+s14], $0x80, s6, s14, $0xb8;
	[tilespmem:$0x1E000] =	vst v63  }
0xa6: {  	_ =	swait.ge [sflag:s26], $0x2800  }
0xa7: {  	[sflag:s26] =	ssyncset.done $0x0  }
0xa8: {  	[sflag:s26] =	ssyncadd.s32 $0xFFFFD800  }
0xa9: {  	_ =	swait.ge [sflag:s26], $0x2800  }
0xaa: {  	[sflag:s26] =	ssyncset.done $0x0  }
0xab: {  	[sflag:s26] =	ssyncadd.s32 $0xFFFFD800  }
0xac: {  	s6 =	smov.u32 s1;
	_ =	swait.ge [sflag:s26], $0x2800  }
0xad: {  	s6 =	simm.s32 @p0 $0x0;
	[sflag:s26] =	ssyncset.done $0x0  }
0xae: {  	s10 =	sadd.s32 s4, s6;
	[sflag:s26] =	ssyncadd.s32 $0xFFFFD800  }
0xaf: {  	s7 =	sshll.u32 s10, $0x4;
	_ =	swait.ge [sflag:s26], $0x2800  }
0xb0: {  	s7 =	sadd.s32 s5, s7;
	[sflag:s26] =	ssyncset.done $0x0;
	s8 =	rddreg [dreg:$0x3]  }
0xb1: {  	s9 =	rddreg [dreg:$0x4];
	[sflag:s26] =	ssyncadd.s32 $0xFFFFD800;
	s11 =	sadd.s32 s6, s8  }
0xb2: {  	[hbm4b:s7+s2] =	stream.linear.scatter [tilespmem:s15], [sflag:$0x3], $0x2800, $0x38;
	[tilespmem:$0x1E000] =	vst v63  }
0xb3: {  	s20 =	rddreg [dreg:$0x5];
	s9 =	sadd.s32 s6, s9;
	s7 =	sshll.u32 s11, $0x4  }
0xb4: {  	s6 =	sadd.s32 s6, s20;
	s9 =	sshll.u32 s9, $0x4;
	s7 =	sadd.s32 s5, s7  }
0xb5: {  	[hbm4b:s7+s2] =	stream.linear.scatter [tilespmem:s17], [sflag:$0x3], $0x2800, $0x38;
	[tilespmem:$0x1E000] =	vst v63  }
0xb6: {  	p0 =	seq.s32 s16, $0x0;
	s6 =	sshll.u32 s6, $0x4;
	s10 =	sadd.s32 s5, s9  }
0xb7: {  	[hbm4b:s10+s2] =	stream.linear.scatter [tilespmem:s19], [sflag:$0x3], $0x2800, $0x38;
	[tilespmem:$0x1E000] =	vst v63  }
0xb8: {  	s6 =	sadd.s32 s5, s6;
	s7 =	simm.s32 @!p0 $0x3  }
0xb9: {  	[hbm4b:s6+s2] =	stream.linear.scatter [tilespmem:s21], [sflag:$0x3], $0x2800, $0x38;
	[tilespmem:$0x1E000] =	vst v63  }
0xba: {  	_ =	swait.ge @!p0 [sflag:s7], $0x2800  }
0xbb: {  	[sflag:s7] =	ssyncset.done @!p0 $0x0  }
0xbc: {  	[sflag:s7] =	ssyncadd.s32 @!p0 $0xFFFFD800  }
0xbd: {  	_ =	swait.ge @!p0 [sflag:s7], $0x2800  }
0xbe: {  	[sflag:s7] =	ssyncset.done @!p0 $0x0  }
0xbf: {  	[sflag:s7] =	ssyncadd.s32 @!p0 $0xFFFFD800  }
0xc0: {  	_ =	swait.ge @!p0 [sflag:s7], $0x2800  }
0xc1: {  	[sflag:s7] =	ssyncset.done @!p0 $0x0  }
0xc2: {  	[sflag:s7] =	ssyncadd.s32 @!p0 $0xFFFFD800  }
0xc3: {  	_ =	swait.ge @!p0 [sflag:s7], $0x2800  }
0xc4: {  	s8 =	simm.s32 @!p0 $0x50;
	[sflag:s7] =	ssyncset.done @!p0 $0x0  }
0xc5: {  	s6 =	simm.s32 @!p0 $0xA000;
	[sflag:s7] =	ssyncadd.s32 @!p0 $0xFFFFD800;
	s7 =	sshra.s32 @!p0 s16, $0x2  }
0xc6: {  	[tilespmem:s6], [sflag:$0x1] =	stream.indirect.gather @!p0 [hbm4b:s3+s8], $0x80, s7, s8, $0xb8;
	[tilespmem:$0x1E000] =	vst v63  }
0xc7: {  	s9 =	simm.s32 @!p0 $0xC800;
	s6 =	sadd.s32 @!p0 $0x80, s7  }
0xc8: {  	[tilespmem:s9], [sflag:$0x1] =	stream.indirect.gather @!p0 [hbm4b:s3+s8], $0x80, s6, s8, $0xb8;
	[tilespmem:$0x1E000] =	vst v63  }
0xc9: {  	s6 =	sadd.s32 @!p0 $0x100, s7;
	s9 =	simm.s32 @!p0 $0xF000  }
0xca: {  	[tilespmem:s9], [sflag:$0x1] =	stream.indirect.gather @!p0 [hbm4b:s3+s8], $0x80, s6, s8, $0xb8;
	[tilespmem:$0x1E000] =	vst v63  }
0xcb: {  	s6 =	sadd.s32 @!p0 $0x180, s7;
	s7 =	simm.s32 @!p0 $0x11800  }
0xcc: {  	[tilespmem:s7], [sflag:$0x1] =	stream.indirect.gather @!p0 [hbm4b:s3+s8], $0x80, s6, s8, $0xb8;
	[tilespmem:$0x1E000] =	vst v63  }
0xcd: {  	s7 =	simm.s32 @!p0 $0x2  }
0xce: {  	_ =	swait.ge @!p0 [sflag:s7], $0x2800  }
0xcf: {  	[sflag:s7] =	ssyncset.done @!p0 $0x0  }
0xd0: {  	[sflag:s7] =	ssyncadd.s32 @!p0 $0xFFFFD800  }
0xd1: {  	_ =	swait.ge @!p0 [sflag:s7], $0x2800  }
0xd2: {  	[sflag:s7] =	ssyncset.done @!p0 $0x0  }
0xd3: {  	[sflag:s7] =	ssyncadd.s32 @!p0 $0xFFFFD800  }
0xd4: {  	_ =	swait.ge @!p0 [sflag:s7], $0x2800  }
0xd5: {  	[sflag:s7] =	ssyncset.done @!p0 $0x0  }
0xd6: {  	[sflag:s7] =	ssyncadd.s32 @!p0 $0xFFFFD800  }
0xd7: {  	_ =	swait.ge @!p0 [sflag:s7], $0x2800  }
0xd8: {  	s9 =	simm.s32 @!p0 $0x14000;
	s6 =	sadd.s32 $0x2800, s12;
	[sflag:s7] =	ssyncset.done @!p0 $0x0  }
0xd9: {  	s8 =	sadd.s32 @!p0 $0xFFFFF600, s6;
	[sflag:s7] =	ssyncadd.s32 @!p0 $0xFFFFD800;
	s7 =	simm.s32 @!p0 $0x0  }
0xda: {  	[hbm4b:s8+s7] =	stream.linear.scatter @!p0 [tilespmem:s9], [sflag:$0x4], $0x2800, $0x38;
	[tilespmem:$0x1E000] =	vst v63  }
0xdb: {  	s8 =	sadd.s32 @!p0 $0xFFFFFB00, s6;
	s9 =	simm.s32 @!p0 $0x16800  }
0xdc: {  	[hbm4b:s8+s7] =	stream.linear.scatter @!p0 [tilespmem:s9], [sflag:$0x4], $0x2800, $0x38;
	[tilespmem:$0x1E000] =	vst v63  }
0xdd: {  	s8 =	simm.s32 @!p0 $0x19000  }
0xde: {  	[hbm4b:s6+s7] =	stream.linear.scatter @!p0 [tilespmem:s8], [sflag:$0x4], $0x2800, $0x38;
	[tilespmem:$0x1E000] =	vst v63  }
0xdf: {  	s9 =	simm.s32 @!p0 $0x1B800;
	s8 =	sadd.s32 @!p0 $0x500, s6  }
0xe0: {  	[hbm4b:s8+s7] =	stream.linear.scatter @!p0 [tilespmem:s9], [sflag:$0x4], $0x2800, $0x38;
	[tilespmem:$0x1E000] =	vst v63  }
0xe1: {  	s7 =	simm.s32 @!p0 $0x4  }
0xe2: {  	_ =	swait.ge @!p0 [sflag:s7], $0x2800  }
0xe3: {  	[sflag:s7] =	ssyncset.done @!p0 $0x0  }
0xe4: {  	[sflag:s7] =	ssyncadd.s32 @!p0 $0xFFFFD800  }
0xe5: {  	_ =	swait.ge @!p0 [sflag:s7], $0x2800  }
0xe6: {  	[sflag:s7] =	ssyncset.done @!p0 $0x0  }
0xe7: {  	[sflag:s7] =	ssyncadd.s32 @!p0 $0xFFFFD800  }
0xe8: {  	_ =	swait.ge @!p0 [sflag:s7], $0x2800  }
0xe9: {  	[sflag:s7] =	ssyncset.done @!p0 $0x0  }
0xea: {  	[sflag:s7] =	ssyncadd.s32 @!p0 $0xFFFFD800  }
0xeb: {  	s16 =	simm.s32 @p0 $0x0;
	_ =	swait.ge @!p0 [sflag:s7], $0x2800  }
0xec: {  	s11 =	sshra.s32 s16, $0x2;
	[sflag:s7] =	ssyncset.done @!p0 $0x0  }
0xed: {  	s12 =	sadd.s32 $0x200, s11;
	[sflag:s7] =	ssyncadd.s32 @!p0 $0xFFFFD800  }
0xee: {  	[tilespmem:s22], [sflag:$0x2] =	stream.indirect.gather [hbm4b:s3+s14], $0x80, s12, s14, $0xb8;
	[tilespmem:$0x1E000] =	vst v63  }
0xef: {  	s16 =	sadd.s32 $0x280, s11  }
0xf0: {  	[tilespmem:s23], [sflag:$0x2] =	stream.indirect.gather [hbm4b:s3+s14], $0x80, s16, s14, $0xb8;
	[tilespmem:$0x1E000] =	vst v63  }
0xf1: {  	s20 =	sadd.s32 $0x300, s11  }
0xf2: {  	[tilespmem:s24], [sflag:$0x2] =	stream.indirect.gather [hbm4b:s3+s14], $0x80, s20, s14, $0xb8;
	[tilespmem:$0x1E000] =	vst v63  }
0xf3: {  	s9 =	sadd.s32 $0x380, s11  }
0xf4: {  	[tilespmem:s25], [sflag:$0x2] =	stream.indirect.gather [hbm4b:s3+s14], $0x80, s9, s14, $0xb8;
	[tilespmem:$0x1E000] =	vst v63  }
0xf5: {  	_ =	swait.ge [sflag:s26], $0x2800  }
0xf6: {  	[sflag:s26] =	ssyncset.done $0x0  }
0xf7: {  	[sflag:s26] =	ssyncadd.s32 $0xFFFFD800  }
0xf8: {  	_ =	swait.ge [sflag:s26], $0x2800  }
0xf9: {  	[sflag:s26] =	ssyncset.done $0x0  }
0xfa: {  	s1 =	sadd.s32 $0x280, s1;
	[sflag:s26] =	ssyncadd.s32 $0xFFFFD800  }
0xfb: {  	s7 =	smov.u32 s1;
	_ =	swait.ge [sflag:s26], $0x2800  }
0xfc: {  	s7 =	simm.s32 @p0 $0x0;
	[sflag:s26] =	ssyncset.done $0x0  }
0xfd: {  	s10 =	sadd.s32 s4, s7;
	[sflag:s26] =	ssyncadd.s32 $0xFFFFD800  }
0xfe: {  	s8 =	sshll.u32 s10, $0x4;
	_ =	swait.ge [sflag:s26], $0x2800  }
0xff: {  	s8 =	sadd.s32 s5, s8;
	[sflag:s26] =	ssyncset.done $0x0;
	s11 =	rddreg [dreg:$0x3]  }
0x100: {  	s10 =	rddreg [dreg:$0x4];
	[sflag:s26] =	ssyncadd.s32 $0xFFFFD800;
	s12 =	sadd.s32 s7, s11  }
0x101: {  	[hbm4b:s8+s2] =	stream.linear.scatter [tilespmem:s15], [sflag:$0x3], $0x2800, $0x38;
	[tilespmem:$0x1E000] =	vst v63  }
0x102: {  	s16 =	rddreg [dreg:$0x5];
	s10 =	sadd.s32 s7, s10;
	s8 =	sshll.u32 s12, $0x4  }
0x103: {  	s7 =	sadd.s32 s7, s16;
	s10 =	sshll.u32 s10, $0x4;
	s8 =	sadd.s32 s5, s8  }
0x104: {  	[hbm4b:s8+s2] =	stream.linear.scatter [tilespmem:s17], [sflag:$0x3], $0x2800, $0x38;
	[tilespmem:$0x1E000] =	vst v63  }
0x105: {  	p0 =	seq.s32 s0, $0x0;
	s7 =	sshll.u32 s7, $0x4;
	s20 =	sadd.s32 s5, s10  }
0x106: {  	[hbm4b:s20+s2] =	stream.linear.scatter [tilespmem:s19], [sflag:$0x3], $0x2800, $0x38;
	[tilespmem:$0x1E000] =	vst v63  }
0x107: {  	s7 =	sadd.s32 s5, s7;
	s8 =	simm.s32 @!p0 $0x3  }
0x108: {  	[hbm4b:s7+s2] =	stream.linear.scatter [tilespmem:s21], [sflag:$0x3], $0x2800, $0x38;
	[tilespmem:$0x1E000] =	vst v63  }
0x109: {  	_ =	swait.ge @!p0 [sflag:s8], $0x2800  }
0x10a: {  	[sflag:s8] =	ssyncset.done @!p0 $0x0  }
0x10b: {  	[sflag:s8] =	ssyncadd.s32 @!p0 $0xFFFFD800  }
0x10c: {  	_ =	swait.ge @!p0 [sflag:s8], $0x2800  }
0x10d: {  	[sflag:s8] =	ssyncset.done @!p0 $0x0  }
0x10e: {  	[sflag:s8] =	ssyncadd.s32 @!p0 $0xFFFFD800  }
0x10f: {  	_ =	swait.ge @!p0 [sflag:s8], $0x2800  }
0x110: {  	[sflag:s8] =	ssyncset.done @!p0 $0x0  }
0x111: {  	[sflag:s8] =	ssyncadd.s32 @!p0 $0xFFFFD800  }
0x112: {  	_ =	swait.ge @!p0 [sflag:s8], $0x2800  }
0x113: {  	s9 =	simm.s32 @!p0 $0x50;
	[sflag:s8] =	ssyncset.done @!p0 $0x0  }
0x114: {  	s7 =	simm.s32 @!p0 $0xA000;
	[sflag:s8] =	ssyncadd.s32 @!p0 $0xFFFFD800;
	s8 =	sshra.s32 @!p0 s0, $0x2  }
0x115: {  	[tilespmem:s7], [sflag:$0x1] =	stream.indirect.gather @!p0 [hbm4b:s3+s9], $0x80, s8, s9, $0xb8;
	[tilespmem:$0x1E000] =	vst v63  }
0x116: {  	s10 =	simm.s32 @!p0 $0xC800;
	s7 =	sadd.s32 @!p0 $0x80, s8  }
0x117: {  	[tilespmem:s10], [sflag:$0x1] =	stream.indirect.gather @!p0 [hbm4b:s3+s9], $0x80, s7, s9, $0xb8;
	[tilespmem:$0x1E000] =	vst v63  }
0x118: {  	s7 =	sadd.s32 @!p0 $0x100, s8;
	s10 =	simm.s32 @!p0 $0xF000  }
0x119: {  	[tilespmem:s10], [sflag:$0x1] =	stream.indirect.gather @!p0 [hbm4b:s3+s9], $0x80, s7, s9, $0xb8;
	[tilespmem:$0x1E000] =	vst v63  }
0x11a: {  	s7 =	sadd.s32 @!p0 $0x180, s8;
	s8 =	simm.s32 @!p0 $0x11800  }
0x11b: {  	[tilespmem:s8], [sflag:$0x1] =	stream.indirect.gather @!p0 [hbm4b:s3+s9], $0x80, s7, s9, $0xb8;
	[tilespmem:$0x1E000] =	vst v63  }
0x11c: {  	s7 =	simm.s32 @!p0 $0x2  }
0x11d: {  	_ =	swait.ge @!p0 [sflag:s7], $0x2800  }
0x11e: {  	[sflag:s7] =	ssyncset.done @!p0 $0x0  }
0x11f: {  	[sflag:s7] =	ssyncadd.s32 @!p0 $0xFFFFD800  }
0x120: {  	_ =	swait.ge @!p0 [sflag:s7], $0x2800  }
0x121: {  	[sflag:s7] =	ssyncset.done @!p0 $0x0  }
0x122: {  	[sflag:s7] =	ssyncadd.s32 @!p0 $0xFFFFD800  }
0x123: {  	_ =	swait.ge @!p0 [sflag:s7], $0x2800  }
0x124: {  	[sflag:s7] =	ssyncset.done @!p0 $0x0  }
0x125: {  	[sflag:s7] =	ssyncadd.s32 @!p0 $0xFFFFD800  }
0x126: {  	s6 =	sadd.s32 $0x2800, s6;
	_ =	swait.ge @!p0 [sflag:s7], $0x2800  }
0x127: {  	s8 =	sadd.s32 @!p0 $0xFFFFF600, s6;
	[sflag:s7] =	ssyncset.done @!p0 $0x0  }
0x128: {  	s9 =	simm.s32 @!p0 $0x14000;
	[sflag:s7] =	ssyncadd.s32 @!p0 $0xFFFFD800;
	s7 =	simm.s32 @!p0 $0x0  }
0x129: {  	[hbm4b:s8+s7] =	stream.linear.scatter @!p0 [tilespmem:s9], [sflag:$0x4], $0x2800, $0x38;
	[tilespmem:$0x1E000] =	vst v63  }
0x12a: {  	s8 =	sadd.s32 @!p0 $0xFFFFFB00, s6;
	s9 =	simm.s32 @!p0 $0x16800  }
0x12b: {  	[hbm4b:s8+s7] =	stream.linear.scatter @!p0 [tilespmem:s9], [sflag:$0x4], $0x2800, $0x38;
	[tilespmem:$0x1E000] =	vst v63  }
0x12c: {  	s8 =	simm.s32 @!p0 $0x19000  }
0x12d: {  	[hbm4b:s6+s7] =	stream.linear.scatter @!p0 [tilespmem:s8], [sflag:$0x4], $0x2800, $0x38;
	[tilespmem:$0x1E000] =	vst v63  }
0x12e: {  	s6 =	sadd.s32 @!p0 $0x500, s6;
	s8 =	simm.s32 @!p0 $0x1B800  }
0x12f: {  	[hbm4b:s6+s7] =	stream.linear.scatter @!p0 [tilespmem:s8], [sflag:$0x4], $0x2800, $0x38;
	[tilespmem:$0x1E000] =	vst v63  }
0x130: {  	s6 =	simm.s32 @!p0 $0x4  }
0x131: {  	_ =	swait.ge @!p0 [sflag:s6], $0x2800  }
0x132: {  	[sflag:s6] =	ssyncset.done @!p0 $0x0  }
0x133: {  	[sflag:s6] =	ssyncadd.s32 @!p0 $0xFFFFD800  }
0x134: {  	_ =	swait.ge @!p0 [sflag:s6], $0x2800  }
0x135: {  	[sflag:s6] =	ssyncset.done @!p0 $0x0  }
0x136: {  	[sflag:s6] =	ssyncadd.s32 @!p0 $0xFFFFD800  }
0x137: {  	_ =	swait.ge @!p0 [sflag:s6], $0x2800  }
0x138: {  	[sflag:s6] =	ssyncset.done @!p0 $0x0  }
0x139: {  	[sflag:s6] =	ssyncadd.s32 @!p0 $0xFFFFD800  }
0x13a: {  	s0 =	simm.s32 @p0 $0x0;
	_ =	swait.ge @!p0 [sflag:s6], $0x2800  }
0x13b: {  	s0 =	sshra.s32 s0, $0x2;
	[sflag:s6] =	ssyncset.done @!p0 $0x0  }
0x13c: {  	s10 =	sadd.s32 $0x200, s0;
	[sflag:s6] =	ssyncadd.s32 @!p0 $0xFFFFD800  }
0x13d: {  	[tilespmem:s22], [sflag:$0x2] =	stream.indirect.gather [hbm4b:s3+s14], $0x80, s10, s14, $0xb8;
	[tilespmem:$0x1E000] =	vst v63  }
0x13e: {  	s11 =	sadd.s32 $0x280, s0  }
0x13f: {  	[tilespmem:s23], [sflag:$0x2] =	stream.indirect.gather [hbm4b:s3+s14], $0x80, s11, s14, $0xb8;
	[tilespmem:$0x1E000] =	vst v63  }
0x140: {  	s12 =	sadd.s32 $0x300, s0  }
0x141: {  	[tilespmem:s24], [sflag:$0x2] =	stream.indirect.gather [hbm4b:s3+s14], $0x80, s12, s14, $0xb8;
	[tilespmem:$0x1E000] =	vst v63  }
0x142: {  	s0 =	sadd.s32 $0x380, s0  }
0x143: {  	[tilespmem:s25], [sflag:$0x2] =	stream.indirect.gather [hbm4b:s3+s14], $0x80, s0, s14, $0xb8;
	[tilespmem:$0x1E000] =	vst v63  }
0x144: {  	_ =	swait.ge [sflag:s26], $0x2800  }
0x145: {  	[sflag:s26] =	ssyncset.done $0x0  }
0x146: {  	[sflag:s26] =	ssyncadd.s32 $0xFFFFD800  }
0x147: {  	_ =	swait.ge [sflag:s26], $0x2800  }
0x148: {  	[sflag:s26] =	ssyncset.done $0x0  }
0x149: {  	[sflag:s26] =	ssyncadd.s32 $0xFFFFD800  }
0x14a: {  	s0 =	sadd.s32 $0x280, s1;
	_ =	swait.ge [sflag:s26], $0x2800  }
0x14b: {  	s0 =	simm.s32 @p0 $0x0;
	[sflag:s26] =	ssyncset.done $0x0  }
0x14c: {  	s16 =	sadd.s32 s4, s0;
	[sflag:s26] =	ssyncadd.s32 $0xFFFFD800  }
0x14d: {  	s1 =	sshll.u32 s16, $0x4;
	_ =	swait.ge [sflag:s26], $0x2800  }
0x14e: {  	s1 =	sadd.s32 s5, s1;
	[sflag:s26] =	ssyncset.done $0x0;
	s20 =	rddreg [dreg:$0x3]  }
0x14f: {  	s7 =	rddreg [dreg:$0x4];
	[sflag:s26] =	ssyncadd.s32 $0xFFFFD800;
	s6 =	sadd.s32 s0, s20  }
0x150: {  	[hbm4b:s1+s2] =	stream.linear.scatter [tilespmem:s15], [sflag:$0x3], $0x2800, $0x38;
	[tilespmem:$0x1E000] =	vst v63  }
0x151: {  	s8 =	rddreg [dreg:$0x5];
	s1 =	sshll.u32 s6, $0x4;
	s6 =	sadd.s32 s0, s7  }
0x152: {  	s0 =	sadd.s32 s0, s8;
	s1 =	sadd.s32 s5, s1;
	s6 =	sshll.u32 s6, $0x4  }
0x153: {  	[hbm4b:s1+s2] =	stream.linear.scatter [tilespmem:s17], [sflag:$0x3], $0x2800, $0x38;
	[tilespmem:$0x1E000] =	vst v63  }
0x154: {  	s0 =	sshll.u32 s0, $0x4;
	s9 =	sadd.s32 s5, s6  }
0x155: {  	[hbm4b:s9+s2] =	stream.linear.scatter [tilespmem:s19], [sflag:$0x3], $0x2800, $0x38;
	[tilespmem:$0x1E000] =	vst v63  }
0x156: {  	s0 =	sadd.s32 s5, s0  }
0x157: {  	[hbm4b:s0+s2] =	stream.linear.scatter [tilespmem:s21], [sflag:$0x3], $0x2800, $0x38;
	[tilespmem:$0x1E000] =	vst v63  }
0x158: {  	_ =	swait.ge [sflag:s28], $0x2800  }
0x159: {  	[sflag:s28] =	ssyncset.done $0x0  }
0x15a: {  	[sflag:s28] =	ssyncadd.s32 $0xFFFFD800  }
0x15b: {  	_ =	swait.ge [sflag:s28], $0x2800  }
0x15c: {  	[sflag:s28] =	ssyncset.done $0x0  }
0x15d: {  	[sflag:s28] =	ssyncadd.s32 $0xFFFFD800  }
0x15e: {  	_ =	swait.ge [sflag:s28], $0x2800  }
0x15f: {  	[sflag:s28] =	ssyncset.done $0x0  }
0x160: {  	[sflag:s28] =	ssyncadd.s32 $0xFFFFD800  }
0x161: {  	_ =	swait.ge [sflag:s28], $0x2800  }
0x162: {  	[sflag:s28] =	ssyncset.done $0x0  }
0x163: {  	s10 =	rddreg [dreg:$0x7];
	[sflag:s28] =	ssyncadd.s32 $0xFFFFD800  }
0x164: {  	[hbm4b:s10+s2] =	stream.linear.scatter [tilespmem:s22], [sflag:$0x4], $0x2800, $0x38;
	[tilespmem:$0x1E000] =	vst v63  }
0x165: {  	s11 =	rddreg [dreg:$0x8]  }
0x166: {  	[hbm4b:s11+s2] =	stream.linear.scatter [tilespmem:s23], [sflag:$0x4], $0x2800, $0x38;
	[tilespmem:$0x1E000] =	vst v63  }
0x167: {  	s12 =	rddreg [dreg:$0x9]  }
0x168: {  	[hbm4b:s12+s2] =	stream.linear.scatter [tilespmem:s24], [sflag:$0x4], $0x2800, $0x38;
	[tilespmem:$0x1E000] =	vst v63  }
0x169: {  	s16 =	rddreg [dreg:$0xa]  }
0x16a: {  	[hbm4b:s16+s2] =	stream.linear.scatter [tilespmem:s25], [sflag:$0x4], $0x2800, $0x38;
	[tilespmem:$0x1E000] =	vst v63  }
0x16b: {  	_ =	swait.ge [sflag:s29], $0x2800  }
0x16c: {  	[sflag:s29] =	ssyncset.done $0x0  }
0x16d: {  	[sflag:s29] =	ssyncadd.s32 $0xFFFFD800  }
0x16e: {  	_ =	swait.ge [sflag:s29], $0x2800  }
0x16f: {  	[sflag:s29] =	ssyncset.done $0x0  }
0x170: {  	[sflag:s29] =	ssyncadd.s32 $0xFFFFD800  }
0x171: {  	_ =	swait.ge [sflag:s29], $0x2800  }
0x172: {  	[sflag:s29] =	ssyncset.done $0x0  }
0x173: {  	[sflag:s29] =	ssyncadd.s32 $0xFFFFD800  }
0x174: {  	_ =	swait.ge [sflag:s29], $0x2800  }
0x175: {  	[sflag:s29] =	ssyncset.done $0x0  }
0x176: {  	[sflag:s29] =	ssyncadd.s32 $0xFFFFD800  }
0x177: {  	_ =	swait.ge [sflag:s30], $0x2800  }
0x178: {  	[sflag:s30] =	ssyncset.done $0x0  }
0x179: {  	[sflag:s30] =	ssyncadd.s32 $0xFFFFD800  }
0x17a: {  	_ =	swait.ge [sflag:s30], $0x2800  }
0x17b: {  	[sflag:s30] =	ssyncset.done $0x0  }
0x17c: {  	[sflag:s30] =	ssyncadd.s32 $0xFFFFD800  }
0x17d: {  	_ =	swait.ge [sflag:s30], $0x2800  }
0x17e: {  	[sflag:s30] =	ssyncset.done $0x0  }
0x17f: {  	[sflag:s30] =	ssyncadd.s32 $0xFFFFD800  }
0x180: {  	_ =	swait.ge [sflag:s30], $0x2800  }
0x181: {  	s31 =	sadd.s32 $0x1, s31;
	s20 =	rddreg [dreg:$0xb]  }
0x182: {  	p0 =	sne.s32 s31, s20  }
.Ltmp1:
0x183: {  	_ = 	snop;
	(pc) =	sbr.rel @p0 .LBB2_1-.Ltmp1, $3  }
0x184: {  	_ =	sdelay $0x1  }
0x185: {  	[sflag:s30] =	ssyncset.done $0x0  }
0x186: {  	[sflag:s30] =	ssyncadd.s32 $0xFFFFD800  }
0x187: {  	_ =	sfence.sel $0x180000  }
0x188: {  	[bflag:$0x0] =	sbarrier.arrive $0xFFFF  }
0x189: {  	_ =	strace $0x90000047  }
0x18a: {  	s0 =	stileid.u32;
	[bflag:$0x2] =	sbarrier.arrive $0xFFFF  }
0x18b: {  	p0 =	sne.s32 s0, $0x0;
	s0 =	rddreg [dreg:$0x2]  }
0x18c: {  	s0 =	sadd.s32 @!p0 $0x100000, s0  }
0x18d: {  	[sflag:s0] =	ssyncadd.tile.s32 @!p0 $0x1;
	_ =	shalt  }
.Lfunc_end2:
_tile_overlayer_lowered:
.L_overlay_start_2:
0x18e: {  	(tag) =	ssettag $0x2  }
0x18f: {  	s0 =	rddreg [dreg:$0x0];
	s2 =	stileid.u32  }
0x190: {  	s1 =	rddreg [dreg:$0x1];
	p0 =	sne.s32 s2, $0x0  }
0x191: {  	s3 =	rddreg [dreg:$0x2];
	[bflag:$0x3] =	sbarrier.arrive $0xFFFF;
	s2 =	simm.s32 @!p0 $0x1C05  }
0x192: {  	[timem:s3], [sflag:s2] =	dma.local @!p0 [hbm:s0], s1  }
0x193: {  	s0 =	simm.s32 @!p0 $0x5  }
0x194: {  	_ =	swait.ge @!p0 [sflag:s0], s1  }
0x195: {  	s1 =	ssub.s32 @!p0 $0x0, s1;
	[sflag:s0] =	ssyncset.done @!p0 $0x0  }
0x196: {  	[sflag:s0] =	ssyncadd.s32 @!p0 s1  }
0x197: {  	[bflag:$0x3] =	sbarrier.arrive $0xFFFF  }
0x198: {  	_ =	shalt  }

// kernel: sparse-core-data-format-call.cloned.1.call-start
scs
called_computation_lowered:
.L_overlay_start_0:
0x0: {  	s2 =	sld [smem:$0x3FD9]  }
0x1: {  	s3 =	sld [smem:$0x3FFE];
	_ =	sdelay $0x1  }
0x2: {  	s1 =	srdreg.scid  }
0x3: {  	s0 =	sand.u32 $0x1, s1  }
0x4: {  	s18 =	sshll.u32 s0, $0xA;
	s2 =	sadd.s32 s3, s2  }
0x5: {  	s2 =	sadd.s32 s2, s18  }
0x6: {  	[smem:$0x3FC6] =	sst s2  }
0x7: {  	_ = 	snop  }
0x8: {  	s2 =	sld [smem:$0x3FD0];
	(tm) =	ssettm $0x1  }
0x9: {  	s19 =	sld [smem:$0x3FFB];
	_ =	sdelay $0x3  }
0xa: {  	_ =	strace s19  }
0xb: {  	s3 =	sld [smem:$0x3FFC];
	_ =	sdelay $0x3  }
0xc: {  	_ =	strace s3  }
0xd: {  	s3 =	sld [smem:$0x3FFD];
	_ =	sdelay $0x3  }
0xe: {  	_ =	strace s3  }
0xf: {  	_ =	strace $0x8FFFFFFF  }
0x10: {  	s20 =	sld [smem:$0x3FDB];
	_ =	sdelay $0x1  }
0x11: {  	s4 =	simm.s32 $_scs_section_size  }
0x12: {  	s5 =	simm.s32 $_size__tile_overlayer_lowered;
	s6 =	simm.s32 $_tile_overlayer_lowered  }
0x13: {  	s23 =	simm.s32 $0x1BFF;
	s22 =	sshll.u32 s6, $0x1;
	s3 =	sadd.s32 s4, s20  }
0x14: {  	s7 =	simm.s32 $0x0;
	s21 =	sshll.u32 s5, $0x1;
	s5 =	sadd.s32 s22, s3  }
0x15: {  	[timem:s7], [sflag:s23] =	dma.local [hbm:s5], s21  }
0x16: {  	_ =	swait.ge [sflag:s23], s21  }
0x17: {  	s4 =	ssub.s32 $0x0, s21;
	[sflag:s23] =	ssyncset.done $0x0  }
0x18: {  	[sflag:s23] =	ssyncadd.s32 s4;
	_ =	sdelay $0x1  }
0x19: {  	s24 =	simm.s32 $0x1B8B  }
0x1a: {  	_ =	swait.ge [sflag:s24], $0x1  }
0x1b: {  	[sflag:s24] =	ssyncset.done $0x0  }
0x1c: {  	s26 =	simm.s32 $0x1B8E;
	s25 =	sld [smem:$0x3FFE];
	[sflag:s24] =	ssyncadd.s32 $0xFFFFFFFF  }
0x1d: {  	s27 =	simm.s32 $execute0_lowered;
	[smem:$0x3FD2] =	sst s26  }
0x1e: {  	s5 =	sshll.u32 s27, $0x1;
	_ =	strace $0x80000049;
	[dreg:$0x1] =	wrdreg $0xFFFFFFFF  }
0x1f: {  	s28 =	simm.s32 $_size_execute0_lowered;
	s3 =	sadd.s32 s3, s5;
	[dreg:$0x0] =	wrdreg $0x0  }
0x20: {  	s5 =	sshll.u32 s28, $0x1;
	[dreg:$0x2] =	wrdreg s3  }
0x21: {  	[dreg:$0x3] =	wrdreg s5  }
0x22: {  	[dreg:$0x4] =	wrdreg $0xC0  }
0x23: {  	_ =	task [dreg:s7], $0x5FFFF  }
0x24: {  	[dreg:$0x1] =	wrdreg $0xFFFFFFFF  }
0x25: {  	[dreg:$0x0] =	wrdreg $0x60  }
0x26: {  	[dreg:$0x2] =	wrdreg s25  }
0x27: {  	[dreg:$0x3] =	wrdreg s2  }
0x28: {  	[dreg:$0x4] =	wrdreg $0x9  }
0x29: {  	_ =	task.clear_ibuf [dreg:s7], $0x5FFFF;
	_ =	strace $0x90000049  }
0x2a: {  	s29 =	simm.s32 $0x9;
	_ =	strace $0x8000004B  }
0x2b: {  	_ =	swait.ge [sflag:s29], $0x1  }
0x2c: {  	[sflag:s29] =	ssyncadd.s32 $0xFFFFFFFF  }
0x2d: {  	_ =	strace $0x9000004B  }
0x2e: {  	_ =	sfence  }
0x2f: {  	s30 =	sld [smem:$0x0];
	_ =	sdelay $0x2  }
0x30: {  	s31 =	sshll.u32 s1, $0xD;
	s1 =	sshrl.u32 s1, $0x2  }
0x31: {  	s3 =	sand.u32 $0x4000, s31;
	s1 =	sadd.s32 s1, s30  }
0x32: {  	s0 =	sor.u32 s3, s0;
	s1 =	sshll.u32 s1, $0x11  }
0x33: {  	s0 =	sor.u32 s1, s0  }
0x34: {  	s0 =	sadd.s32 $0x8F2B, s0  }
0x35: {  	[sflag:s0] =	ssyncadd.remote.s32 $0x1  }
0x36: {  	_ =	sfence.sel $0xFFFF  }
0x37: {  	[dreg:$0x0] =	wrdreg $0xFFFFFFFF;
	(pc) =	sbr.abs _section_cstart, $3  }
0x38: {  	[dreg:$0x1] =	wrdreg $0xFFFFFFFF  }
0x39: {  	_ =	task.clear_ibuf [dreg:s7], $0x2FFFF;
	_ =	strace $0x9FFFFFFF  }
0x3a: {  	(tm) =	ssettm $0x7FFFFFFF  }
0x3b: {  	_ =	shalt  }
tec
execute0_lowered:
.L_overlay_start_1:
0x0: {  	(tag) =	ssettag $0x1  }
0x1: {  	s0 =	srdreg.scid  }
0x2: {  	s1 =	sshll.u32 s0, $0x4  }
0x3: {  	s0 =	stileid.u32;
	s1 =	sand.u32 $0x10, s1  }
0x4: {  	s1 =	sor.u32 s0, s1  }
0x5: {  	s6 =	rddreg [dreg:$0x0];
	s4 =	simm.s32 $0x1;
	s2 =	sshll.u32 s1, $0x7  }
0x6: {  	s7 =	simm.s32 $0x2;
	s12 =	simm.s32 $0x0;
	s1 =	ssub.s32 $0x1000, s2  }
0x7: {  	s8 =	simm.s32 $0x8000;
	s13 =	simm.s32 $0x0;
	s3 =	sand.u32 $0xF80, s1  }
0x8: {  	s9 =	simm.s32 $0x0;
	s5 =	sshrl.u32 s1, $0xC;
	p0 =	sne.s32 s3, $0x0  }
.Ltmp0:
0x9: {  	s1 =	rddreg [dreg:$0x2];
	s4 =	simm.s32 @!p0 $0x0;
	(pc) =	sbr.rel .LBB1_1-.Ltmp0, $4  }
0xa: {  	s11 =	simm.s32 $0x0;
	s3 =	rddreg [dreg:$0x1];
	s5 =	sadd.s32 s4, s5  }
0xb: {  	_ =	strace $0x8000004A;
	s4 =	simm.s32 $0x1;
	s5 =	smul.u32 $0xC8, s5  }
0xc: {  	s6 =	sadd.s32 $0xA00, s6;
	s10 =	smov.u32 s2;
	[sflag:s4] =	ssyncpa.u1 $0x0  }
0xd: {  	p0 =	por $0x0, $0x0;
	[sflag:s7] =	ssyncpa.u1 $0x0;
	s7 =	sor.u32 $0x1, s5  }
.LBB1_4:
0xe: {  	s16 =	sshll.u32 s13, $0x3;
	s17 =	sand.u32 $0x78, s13  }
0xf: {  	s30 =	sand.u32 $0x7E00, s13;
	s12 =	sshll.u32 s12, $0xF;
	s16 =	sand.u32 $0xC00, s16  }
0x10: {  	[tilespmem:s15+$0x810 ss:$0x81] =	vst.msk $0xffff, v2;
	s31 =	sand.u32 $0x7, s13;
	s16 =	sor.u32 s17, s16;
	s17 =	sadd.s32 s3, s30  }
0x11: {  	[tilespmem:s15+$0x1020 ss:$0x81] =	vst.msk $0xffff, v0;
	s13 =	sshll.u32 s31, $0x12;
	s12 =	sadd.s32 s12, s17;
	s16 =	sshrl.u32 s16, $0x3  }
0x12: {  	[tilespmem:s15+$0x0 ss:$0x81] =	vst.msk $0xffff, v1;
	s13 =	sor.u32 $0x400, s13;
	s12 =	sadd.s32 s16, s12  }
0x13: {  	[hbm4b:s12+s13] =	stream.strided.scatter [tilespmem:s14], [sflag:$0x2], $0x2000, s8, s13, $0x20;
	[tilespmem:$0x8080] =	vst v63  }
.LBB1_5:
0x14: {  	s14 =	sadd.s32 $0x1, s9  }
0x15: {  	s12 =	sadd.s32 $0x1000, s10;
	s16 =	smov.u32 s10;
	p2 =	sgt.s32 s14, $0xC7  }
0x16: {  	s16 =	smov.u32 @p2 s12  }
0x17: {  	s14 =	simm.s32 @p2 $0x0;
	p2 =	sgt.s32 s16, $0xFFF  }
0x18: {  	s16 =	smov.u32 @p2 s2;
	p2 =	sne.s32 s11, s7  }
.Ltmp1:
0x19: {  	p1 =	slt.u32 s11, $0x2;
	(pc) =	sbr.rel @!p2 .LBB1_6-.Ltmp1, $4  }
0x1a: {  	s15 =	simm.s32 @!p1 $0x2  }
0x1b: {  	s13 =	smov.u32 s10;
	p0 =	por !p0, !p0;
	_ =	swait.ge @!p1 [sflag:s15], $0x2000  }
0x1c: {  	s12 =	smov.u32 s9;
	[sflag:s15] =	ssyncset.done @!p1 $0x0;
	s9 =	smov.u32 s14  }
0x1d: {  	s11 =	sadd.s32 $0x1, s11;
	[sflag:s15] =	ssyncadd.s32 @!p1 $0xFFFFE000;
	s10 =	smov.u32 s16  }
.LBB1_1:
0x1e: {  	p1 =	sge.u32 s11, s5  }
0x1f: {  	s14 =	sand.u32 @!p1 $0x1FFFFFF, s9  }
0x20: {  	s15 =	smulhi.u32 @!p1 $0x147AE15, s14;
	_ =	sdelay $0x1  }
0x21: {  	s15 =	smul.u32 @!p1 $0xC8, s15  }
0x22: {  	s16 =	sxor.u32 @!p1 $0xFFFFFFFF, s11;
	s17 =	smul.u32 @!p1 $0xC80, s10  }
0x23: {  	s31 =	sadd.s32 $0xFFFFFFFF, s11;
	s16 =	sshll.u32 @!p1 s16, $0xD;
	s14 =	ssub.s32 @!p1 s14, s15  }
0x24: {  	s15 =	sand.u32 @!p1 $0x2000, s16;
	s16 =	sadd.s32 @!p1 s6, s17;
	s14 =	sshll.u32 @!p1 s14, $0x4  }
0x25: {  	s17 =	simm.s32 @!p1 $0x6400;
	s14 =	sadd.s32 @!p1 s14, s16;
	s16 =	simm.s32 @!p1 $0x40  }
0x26: {  	[tilespmem:s15], [sflag:$0x1] =	stream.strided.gather @!p1 [hbm4b:s14+s16], $0x2000, s17, s16, $0x38;
	[tilespmem:$0x8080] =	vst v63  }
0x27: {  	p1 =	sge.u32 s31, s5  }
.Ltmp2:
0x28: {  	_ = 	snop;
	(pc) =	sbr.rel @p1 .LBB1_5-.Ltmp2, $1  }
0x29: {  	_ =	sdelay $0x3  }
0x2a: {  	s14 =	simm.s32 $0x1  }
0x2b: {  	_ =	swait.ge [sflag:s4], $0x2000;
	s14 =	simm.s32 @!p0 $0x0  }
0x2c: {  	[sflag:s4] =	ssyncset.done $0x0;
	s15 =	sshll.u32 s14, $0xD  }
0x2d: {  	[sflag:s4] =	ssyncadd.s32 $0xFFFFE000;
	s18 =	sor.u32 $0x20, s15  }
0x2e: {  	s14 =	smul.u32 $0x8100, s14;
	v3 =	vld [tilespmem:s18+$0x10]  }
0x2f: {  	s30 =	sand.u32 $0x1, s11;
	v2 =	vld [tilespmem:s18+$0xFFFFFFF0]  }
0x30: {  	s15 =	smul.u32 $0x8100, s30;
	s14 =	sshrl.u32 s14, $0x2;
	v0 =	vld [tilespmem:s18+$0x0]  }
0x31: {  	v1 =	vld [tilespmem:s18+$0xFFFFFFE0];
	s16 =	sor.u32 $0x4000, s14  }
0x32: {  	s31 =	sshrl.u32 s15, $0x2;
	s15 =	sadd.s32 $0x0, s16  }
0x33: {  	s17 =	simm.s32 $0x4;
	s18 =	sadd.s32 $0x40, s18;
	s14 =	sor.u32 $0x4000, s31;
	[tilespmem:s15+$0x1830 ss:$0x81] =	vst.msk $0xffff, v3  }
.LBB1_3:
0x34: {  	v3 =	vld [tilespmem:s18+$0x10];
	p1 =	sne.s32 s17, $0x1FC;
	[tilespmem:s15+$0x810 ss:$0x81] =	vst.msk $0xffff, v2;
	s19 =	smov.u32 s17;
	s17 =	sadd.s32 $0x4, s17  }
.Ltmp3:
0x35: {  	v2 =	vld [tilespmem:s18+$0xFFFFFFF0];
	[tilespmem:s15+$0x1020 ss:$0x81] =	vst.msk $0xffff, v0;
	(pc) =	sbr.rel @p1 .LBB1_3-.Ltmp3, $4  }
0x36: {  	v0 =	vld [tilespmem:s18+$0x0];
	[tilespmem:s15+$0x0 ss:$0x81] =	vst.msk $0xffff, v1  }
0x37: {  	s15 =	sshra.s32 s19, $0x2;
	v1 =	vld [tilespmem:s18+$0xFFFFFFE0]  }
0x38: {  	s15 =	sadd.s32 s15, s16  }
0x39: {  	s18 =	sadd.s32 $0x40, s18;
	[tilespmem:s15+$0x1830 ss:$0x81] =	vst.msk $0xffff, v3  }
.Ltmp4:
0x3a: {  	_ = 	snop;
	(pc) =	sbr.rel .LBB1_4-.Ltmp4, $1  }
0x3b: {  	_ =	sdelay $0x3  }
.LBB1_6:
0x3c: {  	_ =	sfence.sel $0x180000  }
0x3d: {  	s2 =	simm.s32 $0x1;
	[bflag:$0x0] =	sbarrier.arrive $0xFFFF  }
0x3e: {  	s31 =	simm.s32 $0x2;
	[sflag:s2] =	ssyncpa.u1 $0x1  }
0x3f: {  	[sflag:s31] =	ssyncpa.u1 $0x1  }
0x40: {  	p0 =	sne.s32 s0, $0x0;
	_ =	strace $0x9000004A  }
0x41: {  	s0 =	sadd.s32 @!p0 $0x100000, s1;
	[bflag:$0x2] =	sbarrier.arrive $0xFFFF  }
0x42: {  	[sflag:s0] =	ssyncadd.tile.s32 @!p0 $0x1;
	_ =	shalt  }
.Lfunc_end1:
_tile_overlayer_lowered:
.L_overlay_start_2:
0x43: {  	(tag) =	ssettag $0x2  }
0x44: {  	s0 =	rddreg [dreg:$0x0];
	s2 =	stileid.u32  }
0x45: {  	s1 =	rddreg [dreg:$0x1];
	p0 =	sne.s32 s2, $0x0  }
0x46: {  	s3 =	rddreg [dreg:$0x2];
	[bflag:$0x3] =	sbarrier.arrive $0xFFFF;
	s2 =	simm.s32 @!p0 $0x1C01  }
0x47: {  	[timem:s3], [sflag:s2] =	dma.local @!p0 [hbm:s0], s1  }
0x48: {  	s0 =	simm.s32 @!p0 $0x1  }
0x49: {  	_ =	swait.ge @!p0 [sflag:s0], s1  }
0x4a: {  	s1 =	ssub.s32 @!p0 $0x0, s1;
	[sflag:s0] =	ssyncset.done @!p0 $0x0  }
0x4b: {  	[sflag:s0] =	ssyncadd.s32 @!p0 s1  }
0x4c: {  	[bflag:$0x3] =	sbarrier.arrive $0xFFFF  }
0x4d: {  	_ =	shalt  }

</sc_bundles>
